<compile_context>
chip_gen: v7x
topology: tpu7x:2x2x1
jax: 0.10.2.dev20260603
libtpu: 0.0.44.dev20260713+nightly
codegen_flags: <defaults>
</compile_context>

<pallas_src>
import functools

import jax
import jax.numpy as jnp
from jax import lax
from jax.experimental import pallas as pl
from jax.experimental.pallas import tpu as pltpu
from jax.experimental.pallas import tpu_sc as plsc

R = 128
N = 32768
L = 16
NC = 2
NS = 16
NW = NC * NS
SC_RPW = 2
SC_ROWS = NW * SC_RPW
ACCS = 8
STEPS = N // (ACCS * L)

TC_BLOCK = 8
TC_CHUNK = 1024
_INT_MAX = 2**31 - 1


_SC_SCRATCH = [
    pltpu.VMEM((2, N), jnp.float32),
    pltpu.VMEM((L,), jnp.int32),
    pltpu.VMEM((L,), jnp.float32),
    pltpu.VMEM((L,), jnp.int32),
    pltpu.SemaphoreType.DMA,
    pltpu.SemaphoreType.DMA,
]


def _argmin_sc_body(x_hbm, out_hbm, buf, outbuf, redv, redi, sem0, sem1):
    cid = lax.axis_index("c")
    sid = lax.axis_index("s")
    wid = cid * NS + sid
    base_iota = lax.iota(jnp.int32, L)
    row0 = wid * SC_RPW

    pltpu.make_async_copy(x_hbm.at[row0], buf.at[0], sem0).start()
    pltpu.make_async_copy(x_hbm.at[row0 + 1], buf.at[1], sem1).start()

    def scan_row(slot):
        mv0 = tuple(
            jnp.full((L,), jnp.inf, dtype=jnp.float32) for _ in range(ACCS)
        )
        mt0 = tuple(jnp.zeros((L,), dtype=jnp.int32) for _ in range(ACCS))

        @plsc.parallel_loop(0, STEPS, 1, unroll=4, carry=(mv0, mt0))
        def _scan(t, carry):
            mvs, mts = carry
            tb = jnp.full((L,), t, dtype=jnp.int32)
            new_mvs = []
            new_mts = []
            for k in range(ACCS):
                v = buf[slot, pl.ds(t * (ACCS * L) + k * L, L)]
                m = v < mvs[k]
                new_mvs.append(jnp.where(m, v, mvs[k]))
                new_mts.append(jnp.where(m, tb, mts[k]))
            return tuple(new_mvs), tuple(new_mts)

        mvs, mts = _scan
        mv = mvs[0]
        mi = mts[0] * (ACCS * L) + base_iota
        for k in range(1, ACCS):
            fi = mts[k] * (ACCS * L) + (k * L + base_iota)
            take = (mvs[k] < mv) | ((mvs[k] == mv) & (fi < mi))
            mv = jnp.where(take, mvs[k], mv)
            mi = jnp.where(take, fi, mi)

        for sh in (8, 4, 2, 1):
            redv[...] = mv
            redi[...] = mi
            perm = base_iota ^ sh
            ov = plsc.load_gather(redv, [perm])
            oi = plsc.load_gather(redi, [perm])
            take = (ov < mv) | ((ov == mv) & (oi < mi))
            mv = jnp.where(take, ov, mv)
            mi = jnp.where(take, oi, mi)
        return mi

    pltpu.make_async_copy(x_hbm.at[row0], buf.at[0], sem0).wait()
    mi_a = scan_row(0)
    pltpu.make_async_copy(x_hbm.at[row0 + 1], buf.at[1], sem1).wait()
    mi_b = scan_row(1)

    outbuf[...] = jnp.where(base_iota == 0, mi_a, mi_b)
    pltpu.sync_copy(outbuf, out_hbm.at[wid])


_argmin_sc = functools.partial(
    pl.kernel,
    mesh=plsc.VectorSubcoreMesh(core_axis_name="c", subcore_axis_name="s"),
    out_type=jax.ShapeDtypeStruct((NW, L), jnp.int32),
    scratch_types=_SC_SCRATCH,
    compiler_params=pltpu.CompilerParams(
        needs_layout_passes=False, skip_device_barrier=True
    ),
)(_argmin_sc_body)


def _tc_body(x_ref, o_ref):
    bmv = jnp.full((TC_BLOCK, TC_CHUNK), jnp.inf, dtype=jnp.float32)
    bci = jnp.zeros((TC_BLOCK, TC_CHUNK), dtype=jnp.int32)
    for c in range(N // TC_CHUNK):
        v = x_ref[:, pl.ds(c * TC_CHUNK, TC_CHUNK)]
        m = v < bmv
        bmv = jnp.where(m, v, bmv)
        bci = jnp.where(m, jnp.int32(c), bci)

    rowmin = jnp.min(bmv, axis=1, keepdims=True)
    pos = lax.broadcasted_iota(jnp.int32, (TC_BLOCK, TC_CHUNK), 1)
    flat = bci * TC_CHUNK + pos
    cand = jnp.where(bmv == rowmin, flat, _INT_MAX)
    o_ref[...] = jnp.min(cand, axis=1, keepdims=True)


_argmin_tc = pl.pallas_call(
    _tc_body,
    grid=((R - SC_ROWS) // TC_BLOCK,),
    in_specs=[
        pl.BlockSpec((TC_BLOCK, N), lambda i: (i + SC_ROWS // TC_BLOCK, 0))
    ],
    out_specs=pl.BlockSpec((TC_BLOCK, 1), lambda i: (i + SC_ROWS // TC_BLOCK, 0)),
    out_shape=jax.ShapeDtypeStruct((R, 1), jnp.int32),
)


def kernel(x):
    tc_full = _argmin_tc(x)
    sc_part = _argmin_sc(x)
    sc_rows = sc_part[:, :SC_RPW].reshape(SC_ROWS, 1)
    return lax.dynamic_update_slice(tc_full, sc_rows, (0, 0))

# --- scband reference (transcript-rebuilt; emitter-appended) ---
"""Pipeline reference for scband-model-new-73315091744084 (READ-ONLY COPY).

The authoritative reference and input builder live on the scoring server;
editing this copy changes nothing except your own understanding.
"""

import jax, jax.numpy as jnp
import numpy as np

DIM = 1

def setup_inputs(seed: int = 0) -> dict:
    key = jax.random.key(seed)
    x = jax.random.normal(key, (128, 32768), dtype=jnp.float32)
    return {"x": x}

def reference(x):
    # Faithful semantics of the custom CUDA kernel: argmin along `dim`,
    # with the reduced dimension kept as size 1 (output_size[dim] = 1).
    idx = jnp.argmin(x, axis=DIM, keepdims=True)
    return idx.astype(jnp.int32)

if __name__ == "__main__":
    import jax
    _d = setup_inputs()
    print(jax.jit(kernel)(*tuple(_d.values())))

</pallas_src>

<mosaic_0001>
#map = affine_map<(d0, d1) -> (0, 0)>
module attributes {stable_mosaic.version = 14 : i64} {
  func.func @_argmin_sc_body(%arg0: i32, %arg1: i32, %arg2: memref<128x32768xf32, #tpu.memory_space<hbm>>, %arg3: memref<32x16xi32, #tpu.memory_space<hbm>>, %arg4: memref<2x32768xf32, #tpu.memory_space<vmem>>, %arg5: memref<16xi32, #tpu.memory_space<vmem>>, %arg6: memref<16xf32, #tpu.memory_space<vmem>>, %arg7: memref<16xi32, #tpu.memory_space<vmem>>, %arg8: memref<!tpu.dma_semaphore, #tpu.memory_space<semaphore_mem>>, %arg9: memref<!tpu.dma_semaphore, #tpu.memory_space<semaphore_mem>>) attributes {dimension_semantics = [#tpu.dimension_semantics<core_parallel>, #tpu.dimension_semantics<subcore_parallel>], iteration_bounds = array<i64: 2, 16>, scalar_prefetch = 0 : i64, scratch_operands = 6 : i64, tpu.core_type = #tpu.core_type<sc_vector_subcore>, window_params = [{transform_indices = #map}, {transform_indices = #map}]} {
    %mul3A = arith.constant 16 : i32
    %mul3A_0 = arith.muli %arg0, %mul3A : i32
    %add3A = arith.addi %mul3A_0, %arg1 : i32
    %iota3A = tpu.iota {dimensions = array<i32: 0>} : vector<16xi32>
    %mul3A_1 = arith.constant 2 : i32
    %mul3A_2 = arith.muli %add3A, %mul3A_1 : i32
    %dma_start3A = arith.constant 0 : i32
    %dma_start3A_3 = arith.constant 0 : i32
    %dma_start3A_4 = tpu.memref_slice %arg4[%dma_start3A, %dma_start3A_3] : memref<2x32768xf32, #tpu.memory_space<vmem>> -> memref<1x32768xf32, #tpu.memory_space<vmem>>
    %dma_start3A_5 = tpu.memref_squeeze %dma_start3A_4 : memref<1x32768xf32, #tpu.memory_space<vmem>> -> memref<32768xf32, #tpu.memory_space<vmem>>
    %dma_start3A_6 = arith.constant 0 : i32
    %dma_start3A_7 = tpu.memref_slice %arg2[%mul3A_2, %dma_start3A_6] : memref<128x32768xf32, #tpu.memory_space<hbm>> -> memref<1x32768xf32, #tpu.memory_space<hbm>>
    %dma_start3A_8 = tpu.memref_squeeze %dma_start3A_7 : memref<1x32768xf32, #tpu.memory_space<hbm>> -> memref<32768xf32, #tpu.memory_space<hbm>>
    %dma_start3A_9 = arith.constant 0 : i32
    %dma_start3A_10 = tpu.memref_slice %arg4[%dma_start3A, %dma_start3A_9] : memref<2x32768xf32, #tpu.memory_space<vmem>> -> memref<1x32768xf32, #tpu.memory_space<vmem>>
    %dma_start3A_11 = tpu.memref_squeeze %dma_start3A_10 : memref<1x32768xf32, #tpu.memory_space<vmem>> -> memref<32768xf32, #tpu.memory_space<vmem>>
    %dma_start3A_12 = arith.constant 0 : i32
    %dma_start3A_13 = tpu.memref_slice %arg2[%mul3A_2, %dma_start3A_12] : memref<128x32768xf32, #tpu.memory_space<hbm>> -> memref<1x32768xf32, #tpu.memory_space<hbm>>
    %dma_start3A_14 = tpu.memref_squeeze %dma_start3A_13 : memref<1x32768xf32, #tpu.memory_space<hbm>> -> memref<32768xf32, #tpu.memory_space<hbm>>
    tpu.enqueue_dma source(%dma_start3A_14 : memref<32768xf32, #tpu.memory_space<hbm>>) target(%dma_start3A_11 : memref<32768xf32, #tpu.memory_space<vmem>>) target_semaphore(%arg8 : memref<!tpu.dma_semaphore, #tpu.memory_space<semaphore_mem>>)
    %add3A_15 = arith.constant 1 : i32
    %add3A_16 = arith.addi %mul3A_2, %add3A_15 : i32
    %dma_start3A_17 = arith.constant 1 : i32
    %dma_start3A_18 = arith.constant 0 : i32
    %dma_start3A_19 = tpu.memref_slice %arg4[%dma_start3A_17, %dma_start3A_18] : memref<2x32768xf32, #tpu.memory_space<vmem>> -> memref<1x32768xf32, #tpu.memory_space<vmem>>
    %dma_start3A_20 = tpu.memref_squeeze %dma_start3A_19 : memref<1x32768xf32, #tpu.memory_space<vmem>> -> memref<32768xf32, #tpu.memory_space<vmem>>
    %dma_start3A_21 = arith.constant 0 : i32
    %dma_start3A_22 = tpu.memref_slice %arg2[%add3A_16, %dma_start3A_21] : memref<128x32768xf32, #tpu.memory_space<hbm>> -> memref<1x32768xf32, #tpu.memory_space<hbm>>
    %dma_start3A_23 = tpu.memref_squeeze %dma_start3A_22 : memref<1x32768xf32, #tpu.memory_space<hbm>> -> memref<32768xf32, #tpu.memory_space<hbm>>
    %dma_start3A_24 = arith.constant 0 : i32
    %dma_start3A_25 = tpu.memref_slice %arg4[%dma_start3A_17, %dma_start3A_24] : memref<2x32768xf32, #tpu.memory_space<vmem>> -> memref<1x32768xf32, #tpu.memory_space<vmem>>
    %dma_start3A_26 = tpu.memref_squeeze %dma_start3A_25 : memref<1x32768xf32, #tpu.memory_space<vmem>> -> memref<32768xf32, #tpu.memory_space<vmem>>
    %dma_start3A_27 = arith.constant 0 : i32
    %dma_start3A_28 = tpu.memref_slice %arg2[%add3A_16, %dma_start3A_27] : memref<128x32768xf32, #tpu.memory_space<hbm>> -> memref<1x32768xf32, #tpu.memory_space<hbm>>
    %dma_start3A_29 = tpu.memref_squeeze %dma_start3A_28 : memref<1x32768xf32, #tpu.memory_space<hbm>> -> memref<32768xf32, #tpu.memory_space<hbm>>
    tpu.enqueue_dma source(%dma_start3A_29 : memref<32768xf32, #tpu.memory_space<hbm>>) target(%dma_start3A_26 : memref<32768xf32, #tpu.memory_space<vmem>>) target_semaphore(%arg9 : memref<!tpu.dma_semaphore, #tpu.memory_space<semaphore_mem>>)
    %dma_wait3A = arith.constant 0 : i32
    %dma_wait3A_30 = arith.constant 0 : i32
    %dma_wait3A_31 = tpu.memref_slice %arg4[%dma_wait3A, %dma_wait3A_30] : memref<2x32768xf32, #tpu.memory_space<vmem>> -> memref<1x32768xf32, #tpu.memory_space<vmem>>
    %dma_wait3A_32 = tpu.memref_squeeze %dma_wait3A_31 : memref<1x32768xf32, #tpu.memory_space<vmem>> -> memref<32768xf32, #tpu.memory_space<vmem>>
    %dma_wait3A_33 = arith.constant 0 : i32
    %dma_wait3A_34 = tpu.memref_slice %arg2[%mul3A_2, %dma_wait3A_33] : memref<128x32768xf32, #tpu.memory_space<hbm>> -> memref<1x32768xf32, #tpu.memory_space<hbm>>
    %dma_wait3A_35 = tpu.memref_squeeze %dma_wait3A_34 : memref<1x32768xf32, #tpu.memory_space<hbm>> -> memref<32768xf32, #tpu.memory_space<hbm>>
    %dma_wait3A_36 = arith.constant 0 : i32
    %dma_wait3A_37 = tpu.memref_slice %arg4[%dma_wait3A, %dma_wait3A_36] : memref<2x32768xf32, #tpu.memory_space<vmem>> -> memref<1x32768xf32, #tpu.memory_space<vmem>>
    %dma_wait3A_38 = tpu.memref_squeeze %dma_wait3A_37 : memref<1x32768xf32, #tpu.memory_space<vmem>> -> memref<32768xf32, #tpu.memory_space<vmem>>
    %dma_wait3A_39 = arith.constant 0 : i32
    %dma_wait3A_40 = tpu.memref_slice %arg2[%mul3A_2, %dma_wait3A_39] : memref<128x32768xf32, #tpu.memory_space<hbm>> -> memref<1x32768xf32, #tpu.memory_space<hbm>>
    %dma_wait3A_41 = tpu.memref_squeeze %dma_wait3A_40 : memref<1x32768xf32, #tpu.memory_space<hbm>> -> memref<32768xf32, #tpu.memory_space<hbm>>
    tpu.wait_dma2 semaphore(%arg8 : memref<!tpu.dma_semaphore, #tpu.memory_space<semaphore_mem>>) src(%dma_wait3A_41 : memref<32768xf32, #tpu.memory_space<hbm>>) dst(%dma_wait3A_38 : memref<32768xf32, #tpu.memory_space<vmem>>)
    %broadcast_in_dim3A = arith.constant 0x7F800000 : f32
    %broadcast_in_dim3A_42 = vector.broadcast %broadcast_in_dim3A : f32 to vector<16xf32>
    %broadcast_in_dim3A_43 = arith.constant 0x7F800000 : f32
    %broadcast_in_dim3A_44 = vector.broadcast %broadcast_in_dim3A_43 : f32 to vector<16xf32>
    %broadcast_in_dim3A_45 = arith.constant 0x7F800000 : f32
    %broadcast_in_dim3A_46 = vector.broadcast %broadcast_in_dim3A_45 : f32 to vector<16xf32>
    %broadcast_in_dim3A_47 = arith.constant 0x7F800000 : f32
    %broadcast_in_dim3A_48 = vector.broadcast %broadcast_in_dim3A_47 : f32 to vector<16xf32>
    %broadcast_in_dim3A_49 = arith.constant 0x7F800000 : f32
    %broadcast_in_dim3A_50 = vector.broadcast %broadcast_in_dim3A_49 : f32 to vector<16xf32>
    %broadcast_in_dim3A_51 = arith.constant 0x7F800000 : f32
    %broadcast_in_dim3A_52 = vector.broadcast %broadcast_in_dim3A_51 : f32 to vector<16xf32>
    %broadcast_in_dim3A_53 = arith.constant 0x7F800000 : f32
    %broadcast_in_dim3A_54 = vector.broadcast %broadcast_in_dim3A_53 : f32 to vector<16xf32>
    %broadcast_in_dim3A_55 = arith.constant 0x7F800000 : f32
    %broadcast_in_dim3A_56 = vector.broadcast %broadcast_in_dim3A_55 : f32 to vector<16xf32>
    %broadcast_in_dim3A_57 = arith.constant 0 : i32
    %broadcast_in_dim3A_58 = vector.broadcast %broadcast_in_dim3A_57 : i32 to vector<16xi32>
    %broadcast_in_dim3A_59 = arith.constant 0 : i32
    %broadcast_in_dim3A_60 = vector.broadcast %broadcast_in_dim3A_59 : i32 to vector<16xi32>
    %broadcast_in_dim3A_61 = arith.constant 0 : i32
    %broadcast_in_dim3A_62 = vector.broadcast %broadcast_in_dim3A_61 : i32 to vector<16xi32>
    %broadcast_in_dim3A_63 = arith.constant 0 : i32
    %broadcast_in_dim3A_64 = vector.broadcast %broadcast_in_dim3A_63 : i32 to vector<16xi32>
    %broadcast_in_dim3A_65 = arith.constant 0 : i32
    %broadcast_in_dim3A_66 = vector.broadcast %broadcast_in_dim3A_65 : i32 to vector<16xi32>
    %broadcast_in_dim3A_67 = arith.constant 0 : i32
    %broadcast_in_dim3A_68 = vector.broadcast %broadcast_in_dim3A_67 : i32 to vector<16xi32>
    %broadcast_in_dim3A_69 = arith.constant 0 : i32
    %broadcast_in_dim3A_70 = vector.broadcast %broadcast_in_dim3A_69 : i32 to vector<16xi32>
    %broadcast_in_dim3A_71 = arith.constant 0 : i32
    %broadcast_in_dim3A_72 = vector.broadcast %broadcast_in_dim3A_71 : i32 to vector<16xi32>
    %parallel_loop3A = arith.constant 0 : i32
    %parallel_loop3A_73 = arith.constant 256 : i32
    %parallel_loop3A_74 = arith.constant 1 : i32
    %parallel_loop3A_75:16 = scf.for %parallel_loop3A_457 = %parallel_loop3A to %parallel_loop3A_73 step %parallel_loop3A_74 iter_args(%parallel_loop3A_458 = %broadcast_in_dim3A_42, %parallel_loop3A_459 = %broadcast_in_dim3A_44, %parallel_loop3A_460 = %broadcast_in_dim3A_46, %parallel_loop3A_461 = %broadcast_in_dim3A_48, %parallel_loop3A_462 = %broadcast_in_dim3A_50, %parallel_loop3A_463 = %broadcast_in_dim3A_52, %parallel_loop3A_464 = %broadcast_in_dim3A_54, %parallel_loop3A_465 = %broadcast_in_dim3A_56, %parallel_loop3A_466 = %broadcast_in_dim3A_58, %parallel_loop3A_467 = %broadcast_in_dim3A_60, %parallel_loop3A_468 = %broadcast_in_dim3A_62, %parallel_loop3A_469 = %broadcast_in_dim3A_64, %parallel_loop3A_470 = %broadcast_in_dim3A_66, %parallel_loop3A_471 = %broadcast_in_dim3A_68, %parallel_loop3A_472 = %broadcast_in_dim3A_70, %parallel_loop3A_473 = %broadcast_in_dim3A_72) -> (vector<16xf32>, vector<16xf32>, vector<16xf32>, vector<16xf32>, vector<16xf32>, vector<16xf32>, vector<16xf32>, vector<16xf32>, vector<16xi32>, vector<16xi32>, vector<16xi32>, vector<16xi32>, vector<16xi32>, vector<16xi32>, vector<16xi32>, vector<16xi32>)  : i32 {
      %parallel_loop3A_474 = vector.broadcast %parallel_loop3A_457 : i32 to vector<16xi32>
      %parallel_loop3A_475 = arith.constant 128 : i32
      %parallel_loop3A_476 = arith.muli %parallel_loop3A_457, %parallel_loop3A_475 : i32
      %parallel_loop3A_477 = arith.constant 0 : i32
      %parallel_loop3A_478 = arith.addi %parallel_loop3A_476, %parallel_loop3A_477 : i32
      %parallel_loop3A_479 = arith.constant 0 : i32
      %parallel_loop3A_480 = arith.index_cast %parallel_loop3A_479 : i32 to index
      %parallel_loop3A_481 = arith.index_cast %parallel_loop3A_478 : i32 to index
      %parallel_loop3A_482 = tpu.vector_load %arg4[%parallel_loop3A_480, %parallel_loop3A_481] {strides = array<i32>} : memref<2x32768xf32, #tpu.memory_space<vmem>>, vector<16xf32>,
      %parallel_loop3A_483 = arith.cmpf olt, %parallel_loop3A_482, %parallel_loop3A_458 : vector<16xf32>
      %parallel_loop3A_484 = arith.select %parallel_loop3A_483, %parallel_loop3A_482, %parallel_loop3A_458 : vector<16xi1>, vector<16xf32>
      %parallel_loop3A_485 = arith.select %parallel_loop3A_483, %parallel_loop3A_474, %parallel_loop3A_466 : vector<16xi1>, vector<16xi32>
      %parallel_loop3A_486 = arith.constant 128 : i32
      %parallel_loop3A_487 = arith.muli %parallel_loop3A_457, %parallel_loop3A_486 : i32
      %parallel_loop3A_488 = arith.constant 16 : i32
      %parallel_loop3A_489 = arith.addi %parallel_loop3A_487, %parallel_loop3A_488 : i32
      %parallel_loop3A_490 = arith.constant 0 : i32
      %parallel_loop3A_491 = arith.index_cast %parallel_loop3A_490 : i32 to index
      %parallel_loop3A_492 = arith.index_cast %parallel_loop3A_489 : i32 to index
      %parallel_loop3A_493 = tpu.vector_load %arg4[%parallel_loop3A_491, %parallel_loop3A_492] {strides = array<i32>} : memref<2x32768xf32, #tpu.memory_space<vmem>>, vector<16xf32>,
      %parallel_loop3A_494 = arith.cmpf olt, %parallel_loop3A_493, %parallel_loop3A_459 : vector<16xf32>
      %parallel_loop3A_495 = arith.select %parallel_loop3A_494, %parallel_loop3A_493, %parallel_loop3A_459 : vector<16xi1>, vector<16xf32>
      %parallel_loop3A_496 = arith.select %parallel_loop3A_494, %parallel_loop3A_474, %parallel_loop3A_467 : vector<16xi1>, vector<16xi32>
      %parallel_loop3A_497 = arith.constant 128 : i32
      %parallel_loop3A_498 = arith.muli %parallel_loop3A_457, %parallel_loop3A_497 : i32
      %parallel_loop3A_499 = arith.constant 32 : i32
      %parallel_loop3A_500 = arith.addi %parallel_loop3A_498, %parallel_loop3A_499 : i32
      %parallel_loop3A_501 = arith.constant 0 : i32
      %parallel_loop3A_502 = arith.index_cast %parallel_loop3A_501 : i32 to index
      %parallel_loop3A_503 = arith.index_cast %parallel_loop3A_500 : i32 to index
      %parallel_loop3A_504 = tpu.vector_load %arg4[%parallel_loop3A_502, %parallel_loop3A_503] {strides = array<i32>} : memref<2x32768xf32, #tpu.memory_space<vmem>>, vector<16xf32>,
      %parallel_loop3A_505 = arith.cmpf olt, %parallel_loop3A_504, %parallel_loop3A_460 : vector<16xf32>
      %parallel_loop3A_506 = arith.select %parallel_loop3A_505, %parallel_loop3A_504, %parallel_loop3A_460 : vector<16xi1>, vector<16xf32>
      %parallel_loop3A_507 = arith.select %parallel_loop3A_505, %parallel_loop3A_474, %parallel_loop3A_468 : vector<16xi1>, vector<16xi32>
      %parallel_loop3A_508 = arith.constant 128 : i32
      %parallel_loop3A_509 = arith.muli %parallel_loop3A_457, %parallel_loop3A_508 : i32
      %parallel_loop3A_510 = arith.constant 48 : i32
      %parallel_loop3A_511 = arith.addi %parallel_loop3A_509, %parallel_loop3A_510 : i32
      %parallel_loop3A_512 = arith.constant 0 : i32
      %parallel_loop3A_513 = arith.index_cast %parallel_loop3A_512 : i32 to index
      %parallel_loop3A_514 = arith.index_cast %parallel_loop3A_511 : i32 to index
      %parallel_loop3A_515 = tpu.vector_load %arg4[%parallel_loop3A_513, %parallel_loop3A_514] {strides = array<i32>} : memref<2x32768xf32, #tpu.memory_space<vmem>>, vector<16xf32>,
      %parallel_loop3A_516 = arith.cmpf olt, %parallel_loop3A_515, %parallel_loop3A_461 : vector<16xf32>
      %parallel_loop3A_517 = arith.select %parallel_loop3A_516, %parallel_loop3A_515, %parallel_loop3A_461 : vector<16xi1>, vector<16xf32>
      %parallel_loop3A_518 = arith.select %parallel_loop3A_516, %parallel_loop3A_474, %parallel_loop3A_469 : vector<16xi1>, vector<16xi32>
      %parallel_loop3A_519 = arith.constant 128 : i32
      %parallel_loop3A_520 = arith.muli %parallel_loop3A_457, %parallel_loop3A_519 : i32
      %parallel_loop3A_521 = arith.constant 64 : i32
      %parallel_loop3A_522 = arith.addi %parallel_loop3A_520, %parallel_loop3A_521 : i32
      %parallel_loop3A_523 = arith.constant 0 : i32
      %parallel_loop3A_524 = arith.index_cast %parallel_loop3A_523 : i32 to index
      %parallel_loop3A_525 = arith.index_cast %parallel_loop3A_522 : i32 to index
      %parallel_loop3A_526 = tpu.vector_load %arg4[%parallel_loop3A_524, %parallel_loop3A_525] {strides = array<i32>} : memref<2x32768xf32, #tpu.memory_space<vmem>>, vector<16xf32>,
      %parallel_loop3A_527 = arith.cmpf olt, %parallel_loop3A_526, %parallel_loop3A_462 : vector<16xf32>
      %parallel_loop3A_528 = arith.select %parallel_loop3A_527, %parallel_loop3A_526, %parallel_loop3A_462 : vector<16xi1>, vector<16xf32>
      %parallel_loop3A_529 = arith.select %parallel_loop3A_527, %parallel_loop3A_474, %parallel_loop3A_470 : vector<16xi1>, vector<16xi32>
      %parallel_loop3A_530 = arith.constant 128 : i32
      %parallel_loop3A_531 = arith.muli %parallel_loop3A_457, %parallel_loop3A_530 : i32
      %parallel_loop3A_532 = arith.constant 80 : i32
      %parallel_loop3A_533 = arith.addi %parallel_loop3A_531, %parallel_loop3A_532 : i32
      %parallel_loop3A_534 = arith.constant 0 : i32
      %parallel_loop3A_535 = arith.index_cast %parallel_loop3A_534 : i32 to index
      %parallel_loop3A_536 = arith.index_cast %parallel_loop3A_533 : i32 to index
      %parallel_loop3A_537 = tpu.vector_load %arg4[%parallel_loop3A_535, %parallel_loop3A_536] {strides = array<i32>} : memref<2x32768xf32, #tpu.memory_space<vmem>>, vector<16xf32>,
      %parallel_loop3A_538 = arith.cmpf olt, %parallel_loop3A_537, %parallel_loop3A_463 : vector<16xf32>
      %parallel_loop3A_539 = arith.select %parallel_loop3A_538, %parallel_loop3A_537, %parallel_loop3A_463 : vector<16xi1>, vector<16xf32>
      %parallel_loop3A_540 = arith.select %parallel_loop3A_538, %parallel_loop3A_474, %parallel_loop3A_471 : vector<16xi1>, vector<16xi32>
      %parallel_loop3A_541 = arith.constant 128 : i32
      %parallel_loop3A_542 = arith.muli %parallel_loop3A_457, %parallel_loop3A_541 : i32
      %parallel_loop3A_543 = arith.constant 96 : i32
      %parallel_loop3A_544 = arith.addi %parallel_loop3A_542, %parallel_loop3A_543 : i32
      %parallel_loop3A_545 = arith.constant 0 : i32
      %parallel_loop3A_546 = arith.index_cast %parallel_loop3A_545 : i32 to index
      %parallel_loop3A_547 = arith.index_cast %parallel_loop3A_544 : i32 to index
      %parallel_loop3A_548 = tpu.vector_load %arg4[%parallel_loop3A_546, %parallel_loop3A_547] {strides = array<i32>} : memref<2x32768xf32, #tpu.memory_space<vmem>>, vector<16xf32>,
      %parallel_loop3A_549 = arith.cmpf olt, %parallel_loop3A_548, %parallel_loop3A_464 : vector<16xf32>
      %parallel_loop3A_550 = arith.select %parallel_loop3A_549, %parallel_loop3A_548, %parallel_loop3A_464 : vector<16xi1>, vector<16xf32>
      %parallel_loop3A_551 = arith.select %parallel_loop3A_549, %parallel_loop3A_474, %parallel_loop3A_472 : vector<16xi1>, vector<16xi32>
      %parallel_loop3A_552 = arith.constant 128 : i32
      %parallel_loop3A_553 = arith.muli %parallel_loop3A_457, %parallel_loop3A_552 : i32
      %parallel_loop3A_554 = arith.constant 112 : i32
      %parallel_loop3A_555 = arith.addi %parallel_loop3A_553, %parallel_loop3A_554 : i32
      %parallel_loop3A_556 = arith.constant 0 : i32
      %parallel_loop3A_557 = arith.index_cast %parallel_loop3A_556 : i32 to index
      %parallel_loop3A_558 = arith.index_cast %parallel_loop3A_555 : i32 to index
      %parallel_loop3A_559 = tpu.vector_load %arg4[%parallel_loop3A_557, %parallel_loop3A_558] {strides = array<i32>} : memref<2x32768xf32, #tpu.memory_space<vmem>>, vector<16xf32>,
      %parallel_loop3A_560 = arith.cmpf olt, %parallel_loop3A_559, %parallel_loop3A_465 : vector<16xf32>
      %parallel_loop3A_561 = arith.select %parallel_loop3A_560, %parallel_loop3A_559, %parallel_loop3A_465 : vector<16xi1>, vector<16xf32>
      %parallel_loop3A_562 = arith.select %parallel_loop3A_560, %parallel_loop3A_474, %parallel_loop3A_473 : vector<16xi1>, vector<16xi32>
      scf.yield %parallel_loop3A_484, %parallel_loop3A_495, %parallel_loop3A_506, %parallel_loop3A_517, %parallel_loop3A_528, %parallel_loop3A_539, %parallel_loop3A_550, %parallel_loop3A_561, %parallel_loop3A_485, %parallel_loop3A_496, %parallel_loop3A_507, %parallel_loop3A_518, %parallel_loop3A_529, %parallel_loop3A_540, %parallel_loop3A_551, %parallel_loop3A_562 : vector<16xf32>, vector<16xf32>, vector<16xf32>, vector<16xf32>, vector<16xf32>, vector<16xf32>, vector<16xf32>, vector<16xf32>, vector<16xi32>, vector<16xi32>, vector<16xi32>, vector<16xi32>, vector<16xi32>, vector<16xi32>, vector<16xi32>, vector<16xi32>
    } {sc.loop_unroll_factor = 4 : i64, sc.parallel_access}
    %mul3A_76 = arith.constant 128 : i32
    %mul3A_77 = vector.broadcast %mul3A_76 : i32 to vector<16xi32>
    %mul3A_78 = arith.muli %parallel_loop3A_75#8, %mul3A_77 : vector<16xi32>
    %add3A_79 = arith.addi %mul3A_78, %iota3A : vector<16xi32>
    %mul3A_80 = arith.constant 128 : i32
    %mul3A_81 = vector.broadcast %mul3A_80 : i32 to vector<16xi32>
    %mul3A_82 = arith.muli %parallel_loop3A_75#9, %mul3A_81 : vector<16xi32>
    %add3A_83 = arith.constant 16 : i32
    %add3A_84 = vector.broadcast %add3A_83 : i32 to vector<16xi32>
    %add3A_85 = arith.addi %add3A_84, %iota3A : vector<16xi32>
    %add3A_86 = arith.addi %mul3A_82, %add3A_85 : vector<16xi32>
    %lt3A = arith.cmpf olt, %parallel_loop3A_75#1, %parallel_loop3A_75#0 : vector<16xf32>
    %eq3A = arith.cmpf oeq, %parallel_loop3A_75#1, %parallel_loop3A_75#0 : vector<16xf32>
    %lt3A_87 = arith.cmpi slt, %add3A_86, %add3A_79 : vector<16xi32>
    %and3A = arith.andi %eq3A, %lt3A_87 : vector<16xi1>
    %or3A = arith.ori %lt3A, %and3A : vector<16xi1>
    %select_n3A = arith.select %or3A, %parallel_loop3A_75#1, %parallel_loop3A_75#0 : vector<16xi1>, vector<16xf32>
    %select_n3A_88 = arith.select %or3A, %add3A_86, %add3A_79 : vector<16xi1>, vector<16xi32>
    %mul3A_89 = arith.constant 128 : i32
    %mul3A_90 = vector.broadcast %mul3A_89 : i32 to vector<16xi32>
    %mul3A_91 = arith.muli %parallel_loop3A_75#10, %mul3A_90 : vector<16xi32>
    %add3A_92 = arith.constant 32 : i32
    %add3A_93 = vector.broadcast %add3A_92 : i32 to vector<16xi32>
    %add3A_94 = arith.addi %add3A_93, %iota3A : vector<16xi32>
    %add3A_95 = arith.addi %mul3A_91, %add3A_94 : vector<16xi32>
    %lt3A_96 = arith.cmpf olt, %parallel_loop3A_75#2, %select_n3A : vector<16xf32>
    %eq3A_97 = arith.cmpf oeq, %parallel_loop3A_75#2, %select_n3A : vector<16xf32>
    %lt3A_98 = arith.cmpi slt, %add3A_95, %select_n3A_88 : vector<16xi32>
    %and3A_99 = arith.andi %eq3A_97, %lt3A_98 : vector<16xi1>
    %or3A_100 = arith.ori %lt3A_96, %and3A_99 : vector<16xi1>
    %select_n3A_101 = arith.select %or3A_100, %parallel_loop3A_75#2, %select_n3A : vector<16xi1>, vector<16xf32>
    %select_n3A_102 = arith.select %or3A_100, %add3A_95, %select_n3A_88 : vector<16xi1>, vector<16xi32>
    %mul3A_103 = arith.constant 128 : i32
    %mul3A_104 = vector.broadcast %mul3A_103 : i32 to vector<16xi32>
    %mul3A_105 = arith.muli %parallel_loop3A_75#11, %mul3A_104 : vector<16xi32>
    %add3A_106 = arith.constant 48 : i32
    %add3A_107 = vector.broadcast %add3A_106 : i32 to vector<16xi32>
    %add3A_108 = arith.addi %add3A_107, %iota3A : vector<16xi32>
    %add3A_109 = arith.addi %mul3A_105, %add3A_108 : vector<16xi32>
    %lt3A_110 = arith.cmpf olt, %parallel_loop3A_75#3, %select_n3A_101 : vector<16xf32>
    %eq3A_111 = arith.cmpf oeq, %parallel_loop3A_75#3, %select_n3A_101 : vector<16xf32>
    %lt3A_112 = arith.cmpi slt, %add3A_109, %select_n3A_102 : vector<16xi32>
    %and3A_113 = arith.andi %eq3A_111, %lt3A_112 : vector<16xi1>
    %or3A_114 = arith.ori %lt3A_110, %and3A_113 : vector<16xi1>
    %select_n3A_115 = arith.select %or3A_114, %parallel_loop3A_75#3, %select_n3A_101 : vector<16xi1>, vector<16xf32>
    %select_n3A_116 = arith.select %or3A_114, %add3A_109, %select_n3A_102 : vector<16xi1>, vector<16xi32>
    %mul3A_117 = arith.constant 128 : i32
    %mul3A_118 = vector.broadcast %mul3A_117 : i32 to vector<16xi32>
    %mul3A_119 = arith.muli %parallel_loop3A_75#12, %mul3A_118 : vector<16xi32>
    %add3A_120 = arith.constant 64 : i32
    %add3A_121 = vector.broadcast %add3A_120 : i32 to vector<16xi32>
    %add3A_122 = arith.addi %add3A_121, %iota3A : vector<16xi32>
    %add3A_123 = arith.addi %mul3A_119, %add3A_122 : vector<16xi32>
    %lt3A_124 = arith.cmpf olt, %parallel_loop3A_75#4, %select_n3A_115 : vector<16xf32>
    %eq3A_125 = arith.cmpf oeq, %parallel_loop3A_75#4, %select_n3A_115 : vector<16xf32>
    %lt3A_126 = arith.cmpi slt, %add3A_123, %select_n3A_116 : vector<16xi32>
    %and3A_127 = arith.andi %eq3A_125, %lt3A_126 : vector<16xi1>
    %or3A_128 = arith.ori %lt3A_124, %and3A_127 : vector<16xi1>
    %select_n3A_129 = arith.select %or3A_128, %parallel_loop3A_75#4, %select_n3A_115 : vector<16xi1>, vector<16xf32>
    %select_n3A_130 = arith.select %or3A_128, %add3A_123, %select_n3A_116 : vector<16xi1>, vector<16xi32>
    %mul3A_131 = arith.constant 128 : i32
    %mul3A_132 = vector.broadcast %mul3A_131 : i32 to vector<16xi32>
    %mul3A_133 = arith.muli %parallel_loop3A_75#13, %mul3A_132 : vector<16xi32>
    %add3A_134 = arith.constant 80 : i32
    %add3A_135 = vector.broadcast %add3A_134 : i32 to vector<16xi32>
    %add3A_136 = arith.addi %add3A_135, %iota3A : vector<16xi32>
    %add3A_137 = arith.addi %mul3A_133, %add3A_136 : vector<16xi32>
    %lt3A_138 = arith.cmpf olt, %parallel_loop3A_75#5, %select_n3A_129 : vector<16xf32>
    %eq3A_139 = arith.cmpf oeq, %parallel_loop3A_75#5, %select_n3A_129 : vector<16xf32>
    %lt3A_140 = arith.cmpi slt, %add3A_137, %select_n3A_130 : vector<16xi32>
    %and3A_141 = arith.andi %eq3A_139, %lt3A_140 : vector<16xi1>
    %or3A_142 = arith.ori %lt3A_138, %and3A_141 : vector<16xi1>
    %select_n3A_143 = arith.select %or3A_142, %parallel_loop3A_75#5, %select_n3A_129 : vector<16xi1>, vector<16xf32>
    %select_n3A_144 = arith.select %or3A_142, %add3A_137, %select_n3A_130 : vector<16xi1>, vector<16xi32>
    %mul3A_145 = arith.constant 128 : i32
    %mul3A_146 = vector.broadcast %mul3A_145 : i32 to vector<16xi32>
    %mul3A_147 = arith.muli %parallel_loop3A_75#14, %mul3A_146 : vector<16xi32>
    %add3A_148 = arith.constant 96 : i32
    %add3A_149 = vector.broadcast %add3A_148 : i32 to vector<16xi32>
    %add3A_150 = arith.addi %add3A_149, %iota3A : vector<16xi32>
    %add3A_151 = arith.addi %mul3A_147, %add3A_150 : vector<16xi32>
    %lt3A_152 = arith.cmpf olt, %parallel_loop3A_75#6, %select_n3A_143 : vector<16xf32>
    %eq3A_153 = arith.cmpf oeq, %parallel_loop3A_75#6, %select_n3A_143 : vector<16xf32>
    %lt3A_154 = arith.cmpi slt, %add3A_151, %select_n3A_144 : vector<16xi32>
    %and3A_155 = arith.andi %eq3A_153, %lt3A_154 : vector<16xi1>
    %or3A_156 = arith.ori %lt3A_152, %and3A_155 : vector<16xi1>
    %select_n3A_157 = arith.select %or3A_156, %parallel_loop3A_75#6, %select_n3A_143 : vector<16xi1>, vector<16xf32>
    %select_n3A_158 = arith.select %or3A_156, %add3A_151, %select_n3A_144 : vector<16xi1>, vector<16xi32>
    %mul3A_159 = arith.constant 128 : i32
    %mul3A_160 = vector.broadcast %mul3A_159 : i32 to vector<16xi32>
    %mul3A_161 = arith.muli %parallel_loop3A_75#15, %mul3A_160 : vector<16xi32>
    %add3A_162 = arith.constant 112 : i32
    %add3A_163 = vector.broadcast %add3A_162 : i32 to vector<16xi32>
    %add3A_164 = arith.addi %add3A_163, %iota3A : vector<16xi32>
    %add3A_165 = arith.addi %mul3A_161, %add3A_164 : vector<16xi32>
    %lt3A_166 = arith.cmpf olt, %parallel_loop3A_75#7, %select_n3A_157 : vector<16xf32>
    %eq3A_167 = arith.cmpf oeq, %parallel_loop3A_75#7, %select_n3A_157 : vector<16xf32>
    %lt3A_168 = arith.cmpi slt, %add3A_165, %select_n3A_158 : vector<16xi32>
    %and3A_169 = arith.andi %eq3A_167, %lt3A_168 : vector<16xi1>
    %or3A_170 = arith.ori %lt3A_166, %and3A_169 : vector<16xi1>
    %select_n3A_171 = arith.select %or3A_170, %parallel_loop3A_75#7, %select_n3A_157 : vector<16xi1>, vector<16xf32>
    %select_n3A_172 = arith.select %or3A_170, %add3A_165, %select_n3A_158 : vector<16xi1>, vector<16xi32>
    %swap3A = arith.constant 0 : index
    %swap3A_173 = tpu.vector_load %arg6[%swap3A] {strides = array<i32>} : memref<16xf32, #tpu.memory_space<vmem>>, vector<16xf32>,
    tpu.vector_store %arg6[%swap3A], %select_n3A_171 {strides = array<i32>} : memref<16xf32, #tpu.memory_space<vmem>>, vector<16xf32>,
    %swap3A_174 = arith.constant 0 : index
    %swap3A_175 = tpu.vector_load %arg7[%swap3A_174] {strides = array<i32>} : memref<16xi32, #tpu.memory_space<vmem>>, vector<16xi32>,
    tpu.vector_store %arg7[%swap3A_174], %select_n3A_172 {strides = array<i32>} : memref<16xi32, #tpu.memory_space<vmem>>, vector<16xi32>,
    %xor3A = arith.constant 8 : i32
    %xor3A_176 = vector.broadcast %xor3A : i32 to vector<16xi32>
    %xor3A_177 = arith.xori %iota3A, %xor3A_176 : vector<16xi32>
    %gather3A = tpu.vector_load_idx %arg6[%xor3A_177] : memref<16xf32, #tpu.memory_space<vmem>>[vector<16xi32>], vector<16xf32>,
    %gather3A_178 = tpu.vector_load_idx %arg7[%xor3A_177] : memref<16xi32, #tpu.memory_space<vmem>>[vector<16xi32>], vector<16xi32>,
    %lt3A_179 = arith.cmpf olt, %gather3A, %select_n3A_171 : vector<16xf32>
    %eq3A_180 = arith.cmpf oeq, %gather3A, %select_n3A_171 : vector<16xf32>
    %lt3A_181 = arith.cmpi slt, %gather3A_178, %select_n3A_172 : vector<16xi32>
    %and3A_182 = arith.andi %eq3A_180, %lt3A_181 : vector<16xi1>
    %or3A_183 = arith.ori %lt3A_179, %and3A_182 : vector<16xi1>
    %select_n3A_184 = arith.select %or3A_183, %gather3A, %select_n3A_171 : vector<16xi1>, vector<16xf32>
    %select_n3A_185 = arith.select %or3A_183, %gather3A_178, %select_n3A_172 : vector<16xi1>, vector<16xi32>
    %swap3A_186 = arith.constant 0 : index
    %swap3A_187 = tpu.vector_load %arg6[%swap3A_186] {strides = array<i32>} : memref<16xf32, #tpu.memory_space<vmem>>, vector<16xf32>,
    tpu.vector_store %arg6[%swap3A_186], %select_n3A_184 {strides = array<i32>} : memref<16xf32, #tpu.memory_space<vmem>>, vector<16xf32>,
    %swap3A_188 = arith.constant 0 : index
    %swap3A_189 = tpu.vector_load %arg7[%swap3A_188] {strides = array<i32>} : memref<16xi32, #tpu.memory_space<vmem>>, vector<16xi32>,
    tpu.vector_store %arg7[%swap3A_188], %select_n3A_185 {strides = array<i32>} : memref<16xi32, #tpu.memory_space<vmem>>, vector<16xi32>,
    %xor3A_190 = arith.constant 4 : i32
    %xor3A_191 = vector.broadcast %xor3A_190 : i32 to vector<16xi32>
    %xor3A_192 = arith.xori %iota3A, %xor3A_191 : vector<16xi32>
    %gather3A_193 = tpu.vector_load_idx %arg6[%xor3A_192] : memref<16xf32, #tpu.memory_space<vmem>>[vector<16xi32>], vector<16xf32>,
    %gather3A_194 = tpu.vector_load_idx %arg7[%xor3A_192] : memref<16xi32, #tpu.memory_space<vmem>>[vector<16xi32>], vector<16xi32>,
    %lt3A_195 = arith.cmpf olt, %gather3A_193, %select_n3A_184 : vector<16xf32>
    %eq3A_196 = arith.cmpf oeq, %gather3A_193, %select_n3A_184 : vector<16xf32>
    %lt3A_197 = arith.cmpi slt, %gather3A_194, %select_n3A_185 : vector<16xi32>
    %and3A_198 = arith.andi %eq3A_196, %lt3A_197 : vector<16xi1>
    %or3A_199 = arith.ori %lt3A_195, %and3A_198 : vector<16xi1>
    %select_n3A_200 = arith.select %or3A_199, %gather3A_193, %select_n3A_184 : vector<16xi1>, vector<16xf32>
    %select_n3A_201 = arith.select %or3A_199, %gather3A_194, %select_n3A_185 : vector<16xi1>, vector<16xi32>
    %swap3A_202 = arith.constant 0 : index
    %swap3A_203 = tpu.vector_load %arg6[%swap3A_202] {strides = array<i32>} : memref<16xf32, #tpu.memory_space<vmem>>, vector<16xf32>,
    tpu.vector_store %arg6[%swap3A_202], %select_n3A_200 {strides = array<i32>} : memref<16xf32, #tpu.memory_space<vmem>>, vector<16xf32>,
    %swap3A_204 = arith.constant 0 : index
    %swap3A_205 = tpu.vector_load %arg7[%swap3A_204] {strides = array<i32>} : memref<16xi32, #tpu.memory_space<vmem>>, vector<16xi32>,
    tpu.vector_store %arg7[%swap3A_204], %select_n3A_201 {strides = array<i32>} : memref<16xi32, #tpu.memory_space<vmem>>, vector<16xi32>,
    %xor3A_206 = arith.constant 2 : i32
    %xor3A_207 = vector.broadcast %xor3A_206 : i32 to vector<16xi32>
    %xor3A_208 = arith.xori %iota3A, %xor3A_207 : vector<16xi32>
    %gather3A_209 = tpu.vector_load_idx %arg6[%xor3A_208] : memref<16xf32, #tpu.memory_space<vmem>>[vector<16xi32>], vector<16xf32>,
    %gather3A_210 = tpu.vector_load_idx %arg7[%xor3A_208] : memref<16xi32, #tpu.memory_space<vmem>>[vector<16xi32>], vector<16xi32>,
    %lt3A_211 = arith.cmpf olt, %gather3A_209, %select_n3A_200 : vector<16xf32>
    %eq3A_212 = arith.cmpf oeq, %gather3A_209, %select_n3A_200 : vector<16xf32>
    %lt3A_213 = arith.cmpi slt, %gather3A_210, %select_n3A_201 : vector<16xi32>
    %and3A_214 = arith.andi %eq3A_212, %lt3A_213 : vector<16xi1>
    %or3A_215 = arith.ori %lt3A_211, %and3A_214 : vector<16xi1>
    %select_n3A_216 = arith.select %or3A_215, %gather3A_209, %select_n3A_200 : vector<16xi1>, vector<16xf32>
    %select_n3A_217 = arith.select %or3A_215, %gather3A_210, %select_n3A_201 : vector<16xi1>, vector<16xi32>
    %swap3A_218 = arith.constant 0 : index
    %swap3A_219 = tpu.vector_load %arg6[%swap3A_218] {strides = array<i32>} : memref<16xf32, #tpu.memory_space<vmem>>, vector<16xf32>,
    tpu.vector_store %arg6[%swap3A_218], %select_n3A_216 {strides = array<i32>} : memref<16xf32, #tpu.memory_space<vmem>>, vector<16xf32>,
    %swap3A_220 = arith.constant 0 : index
    %swap3A_221 = tpu.vector_load %arg7[%swap3A_220] {strides = array<i32>} : memref<16xi32, #tpu.memory_space<vmem>>, vector<16xi32>,
    tpu.vector_store %arg7[%swap3A_220], %select_n3A_217 {strides = array<i32>} : memref<16xi32, #tpu.memory_space<vmem>>, vector<16xi32>,
    %xor3A_222 = arith.constant 1 : i32
    %xor3A_223 = vector.broadcast %xor3A_222 : i32 to vector<16xi32>
    %xor3A_224 = arith.xori %iota3A, %xor3A_223 : vector<16xi32>
    %gather3A_225 = tpu.vector_load_idx %arg6[%xor3A_224] : memref<16xf32, #tpu.memory_space<vmem>>[vector<16xi32>], vector<16xf32>,
    %gather3A_226 = tpu.vector_load_idx %arg7[%xor3A_224] : memref<16xi32, #tpu.memory_space<vmem>>[vector<16xi32>], vector<16xi32>,
    %lt3A_227 = arith.cmpf olt, %gather3A_225, %select_n3A_216 : vector<16xf32>
    %eq3A_228 = arith.cmpf oeq, %gather3A_225, %select_n3A_216 : vector<16xf32>
    %lt3A_229 = arith.cmpi slt, %gather3A_226, %select_n3A_217 : vector<16xi32>
    %and3A_230 = arith.andi %eq3A_228, %lt3A_229 : vector<16xi1>
    %or3A_231 = arith.ori %lt3A_227, %and3A_230 : vector<16xi1>
    %select_n3A_232 = arith.select %or3A_231, %gather3A_225, %select_n3A_216 : vector<16xi1>, vector<16xf32>
    %select_n3A_233 = arith.select %or3A_231, %gather3A_226, %select_n3A_217 : vector<16xi1>, vector<16xi32>
    %add3A_234 = arith.constant 1 : i32
    %add3A_235 = arith.addi %mul3A_2, %add3A_234 : i32
    %dma_wait3A_236 = arith.constant 1 : i32
    %dma_wait3A_237 = arith.constant 0 : i32
    %dma_wait3A_238 = tpu.memref_slice %arg4[%dma_wait3A_236, %dma_wait3A_237] : memref<2x32768xf32, #tpu.memory_space<vmem>> -> memref<1x32768xf32, #tpu.memory_space<vmem>>
    %dma_wait3A_239 = tpu.memref_squeeze %dma_wait3A_238 : memref<1x32768xf32, #tpu.memory_space<vmem>> -> memref<32768xf32, #tpu.memory_space<vmem>>
    %dma_wait3A_240 = arith.constant 0 : i32
    %dma_wait3A_241 = tpu.memref_slice %arg2[%add3A_235, %dma_wait3A_240] : memref<128x32768xf32, #tpu.memory_space<hbm>> -> memref<1x32768xf32, #tpu.memory_space<hbm>>
    %dma_wait3A_242 = tpu.memref_squeeze %dma_wait3A_241 : memref<1x32768xf32, #tpu.memory_space<hbm>> -> memref<32768xf32, #tpu.memory_space<hbm>>
    %dma_wait3A_243 = arith.constant 0 : i32
    %dma_wait3A_244 = tpu.memref_slice %arg4[%dma_wait3A_236, %dma_wait3A_243] : memref<2x32768xf32, #tpu.memory_space<vmem>> -> memref<1x32768xf32, #tpu.memory_space<vmem>>
    %dma_wait3A_245 = tpu.memref_squeeze %dma_wait3A_244 : memref<1x32768xf32, #tpu.memory_space<vmem>> -> memref<32768xf32, #tpu.memory_space<vmem>>
    %dma_wait3A_246 = arith.constant 0 : i32
    %dma_wait3A_247 = tpu.memref_slice %arg2[%add3A_235, %dma_wait3A_246] : memref<128x32768xf32, #tpu.memory_space<hbm>> -> memref<1x32768xf32, #tpu.memory_space<hbm>>
    %dma_wait3A_248 = tpu.memref_squeeze %dma_wait3A_247 : memref<1x32768xf32, #tpu.memory_space<hbm>> -> memref<32768xf32, #tpu.memory_space<hbm>>
    tpu.wait_dma2 semaphore(%arg9 : memref<!tpu.dma_semaphore, #tpu.memory_space<semaphore_mem>>) src(%dma_wait3A_248 : memref<32768xf32, #tpu.memory_space<hbm>>) dst(%dma_wait3A_245 : memref<32768xf32, #tpu.memory_space<vmem>>)
    %broadcast_in_dim3A_249 = arith.constant 0x7F800000 : f32
    %broadcast_in_dim3A_250 = vector.broadcast %broadcast_in_dim3A_249 : f32 to vector<16xf32>
    %broadcast_in_dim3A_251 = arith.constant 0x7F800000 : f32
    %broadcast_in_dim3A_252 = vector.broadcast %broadcast_in_dim3A_251 : f32 to vector<16xf32>
    %broadcast_in_dim3A_253 = arith.constant 0x7F800000 : f32
    %broadcast_in_dim3A_254 = vector.broadcast %broadcast_in_dim3A_253 : f32 to vector<16xf32>
    %broadcast_in_dim3A_255 = arith.constant 0x7F800000 : f32
    %broadcast_in_dim3A_256 = vector.broadcast %broadcast_in_dim3A_255 : f32 to vector<16xf32>
    %broadcast_in_dim3A_257 = arith.constant 0x7F800000 : f32
    %broadcast_in_dim3A_258 = vector.broadcast %broadcast_in_dim3A_257 : f32 to vector<16xf32>
    %broadcast_in_dim3A_259 = arith.constant 0x7F800000 : f32
    %broadcast_in_dim3A_260 = vector.broadcast %broadcast_in_dim3A_259 : f32 to vector<16xf32>
    %broadcast_in_dim3A_261 = arith.constant 0x7F800000 : f32
    %broadcast_in_dim3A_262 = vector.broadcast %broadcast_in_dim3A_261 : f32 to vector<16xf32>
    %broadcast_in_dim3A_263 = arith.constant 0x7F800000 : f32
    %broadcast_in_dim3A_264 = vector.broadcast %broadcast_in_dim3A_263 : f32 to vector<16xf32>
    %broadcast_in_dim3A_265 = arith.constant 0 : i32
    %broadcast_in_dim3A_266 = vector.broadcast %broadcast_in_dim3A_265 : i32 to vector<16xi32>
    %broadcast_in_dim3A_267 = arith.constant 0 : i32
    %broadcast_in_dim3A_268 = vector.broadcast %broadcast_in_dim3A_267 : i32 to vector<16xi32>
    %broadcast_in_dim3A_269 = arith.constant 0 : i32
    %broadcast_in_dim3A_270 = vector.broadcast %broadcast_in_dim3A_269 : i32 to vector<16xi32>
    %broadcast_in_dim3A_271 = arith.constant 0 : i32
    %broadcast_in_dim3A_272 = vector.broadcast %broadcast_in_dim3A_271 : i32 to vector<16xi32>
    %broadcast_in_dim3A_273 = arith.constant 0 : i32
    %broadcast_in_dim3A_274 = vector.broadcast %broadcast_in_dim3A_273 : i32 to vector<16xi32>
    %broadcast_in_dim3A_275 = arith.constant 0 : i32
    %broadcast_in_dim3A_276 = vector.broadcast %broadcast_in_dim3A_275 : i32 to vector<16xi32>
    %broadcast_in_dim3A_277 = arith.constant 0 : i32
    %broadcast_in_dim3A_278 = vector.broadcast %broadcast_in_dim3A_277 : i32 to vector<16xi32>
    %broadcast_in_dim3A_279 = arith.constant 0 : i32
    %broadcast_in_dim3A_280 = vector.broadcast %broadcast_in_dim3A_279 : i32 to vector<16xi32>
    %parallel_loop3A_281 = arith.constant 0 : i32
    %parallel_loop3A_282 = arith.constant 256 : i32
    %parallel_loop3A_283 = arith.constant 1 : i32
    %parallel_loop3A_284:16 = scf.for %parallel_loop3A_457 = %parallel_loop3A_281 to %parallel_loop3A_282 step %parallel_loop3A_283 iter_args(%parallel_loop3A_458 = %broadcast_in_dim3A_250, %parallel_loop3A_459 = %broadcast_in_dim3A_252, %parallel_loop3A_460 = %broadcast_in_dim3A_254, %parallel_loop3A_461 = %broadcast_in_dim3A_256, %parallel_loop3A_462 = %broadcast_in_dim3A_258, %parallel_loop3A_463 = %broadcast_in_dim3A_260, %parallel_loop3A_464 = %broadcast_in_dim3A_262, %parallel_loop3A_465 = %broadcast_in_dim3A_264, %parallel_loop3A_466 = %broadcast_in_dim3A_266, %parallel_loop3A_467 = %broadcast_in_dim3A_268, %parallel_loop3A_468 = %broadcast_in_dim3A_270, %parallel_loop3A_469 = %broadcast_in_dim3A_272, %parallel_loop3A_470 = %broadcast_in_dim3A_274, %parallel_loop3A_471 = %broadcast_in_dim3A_276, %parallel_loop3A_472 = %broadcast_in_dim3A_278, %parallel_loop3A_473 = %broadcast_in_dim3A_280) -> (vector<16xf32>, vector<16xf32>, vector<16xf32>, vector<16xf32>, vector<16xf32>, vector<16xf32>, vector<16xf32>, vector<16xf32>, vector<16xi32>, vector<16xi32>, vector<16xi32>, vector<16xi32>, vector<16xi32>, vector<16xi32>, vector<16xi32>, vector<16xi32>)  : i32 {
      %parallel_loop3A_474 = vector.broadcast %parallel_loop3A_457 : i32 to vector<16xi32>
      %parallel_loop3A_475 = arith.constant 128 : i32
      %parallel_loop3A_476 = arith.muli %parallel_loop3A_457, %parallel_loop3A_475 : i32
      %parallel_loop3A_477 = arith.constant 0 : i32
      %parallel_loop3A_478 = arith.addi %parallel_loop3A_476, %parallel_loop3A_477 : i32
      %parallel_loop3A_479 = arith.constant 1 : i32
      %parallel_loop3A_480 = arith.index_cast %parallel_loop3A_479 : i32 to index
      %parallel_loop3A_481 = arith.index_cast %parallel_loop3A_478 : i32 to index
      %parallel_loop3A_482 = tpu.vector_load %arg4[%parallel_loop3A_480, %parallel_loop3A_481] {strides = array<i32>} : memref<2x32768xf32, #tpu.memory_space<vmem>>, vector<16xf32>,
      %parallel_loop3A_483 = arith.cmpf olt, %parallel_loop3A_482, %parallel_loop3A_458 : vector<16xf32>
      %parallel_loop3A_484 = arith.select %parallel_loop3A_483, %parallel_loop3A_482, %parallel_loop3A_458 : vector<16xi1>, vector<16xf32>
      %parallel_loop3A_485 = arith.select %parallel_loop3A_483, %parallel_loop3A_474, %parallel_loop3A_466 : vector<16xi1>, vector<16xi32>
      %parallel_loop3A_486 = arith.constant 128 : i32
      %parallel_loop3A_487 = arith.muli %parallel_loop3A_457, %parallel_loop3A_486 : i32
      %parallel_loop3A_488 = arith.constant 16 : i32
      %parallel_loop3A_489 = arith.addi %parallel_loop3A_487, %parallel_loop3A_488 : i32
      %parallel_loop3A_490 = arith.constant 1 : i32
      %parallel_loop3A_491 = arith.index_cast %parallel_loop3A_490 : i32 to index
      %parallel_loop3A_492 = arith.index_cast %parallel_loop3A_489 : i32 to index
      %parallel_loop3A_493 = tpu.vector_load %arg4[%parallel_loop3A_491, %parallel_loop3A_492] {strides = array<i32>} : memref<2x32768xf32, #tpu.memory_space<vmem>>, vector<16xf32>,
      %parallel_loop3A_494 = arith.cmpf olt, %parallel_loop3A_493, %parallel_loop3A_459 : vector<16xf32>
      %parallel_loop3A_495 = arith.select %parallel_loop3A_494, %parallel_loop3A_493, %parallel_loop3A_459 : vector<16xi1>, vector<16xf32>
      %parallel_loop3A_496 = arith.select %parallel_loop3A_494, %parallel_loop3A_474, %parallel_loop3A_467 : vector<16xi1>, vector<16xi32>
      %parallel_loop3A_497 = arith.constant 128 : i32
      %parallel_loop3A_498 = arith.muli %parallel_loop3A_457, %parallel_loop3A_497 : i32
      %parallel_loop3A_499 = arith.constant 32 : i32
      %parallel_loop3A_500 = arith.addi %parallel_loop3A_498, %parallel_loop3A_499 : i32
      %parallel_loop3A_501 = arith.constant 1 : i32
      %parallel_loop3A_502 = arith.index_cast %parallel_loop3A_501 : i32 to index
      %parallel_loop3A_503 = arith.index_cast %parallel_loop3A_500 : i32 to index
      %parallel_loop3A_504 = tpu.vector_load %arg4[%parallel_loop3A_502, %parallel_loop3A_503] {strides = array<i32>} : memref<2x32768xf32, #tpu.memory_space<vmem>>, vector<16xf32>,
      %parallel_loop3A_505 = arith.cmpf olt, %parallel_loop3A_504, %parallel_loop3A_460 : vector<16xf32>
      %parallel_loop3A_506 = arith.select %parallel_loop3A_505, %parallel_loop3A_504, %parallel_loop3A_460 : vector<16xi1>, vector<16xf32>
      %parallel_loop3A_507 = arith.select %parallel_loop3A_505, %parallel_loop3A_474, %parallel_loop3A_468 : vector<16xi1>, vector<16xi32>
      %parallel_loop3A_508 = arith.constant 128 : i32
      %parallel_loop3A_509 = arith.muli %parallel_loop3A_457, %parallel_loop3A_508 : i32
      %parallel_loop3A_510 = arith.constant 48 : i32
      %parallel_loop3A_511 = arith.addi %parallel_loop3A_509, %parallel_loop3A_510 : i32
      %parallel_loop3A_512 = arith.constant 1 : i32
      %parallel_loop3A_513 = arith.index_cast %parallel_loop3A_512 : i32 to index
      %parallel_loop3A_514 = arith.index_cast %parallel_loop3A_511 : i32 to index
      %parallel_loop3A_515 = tpu.vector_load %arg4[%parallel_loop3A_513, %parallel_loop3A_514] {strides = array<i32>} : memref<2x32768xf32, #tpu.memory_space<vmem>>, vector<16xf32>,
      %parallel_loop3A_516 = arith.cmpf olt, %parallel_loop3A_515, %parallel_loop3A_461 : vector<16xf32>
      %parallel_loop3A_517 = arith.select %parallel_loop3A_516, %parallel_loop3A_515, %parallel_loop3A_461 : vector<16xi1>, vector<16xf32>
      %parallel_loop3A_518 = arith.select %parallel_loop3A_516, %parallel_loop3A_474, %parallel_loop3A_469 : vector<16xi1>, vector<16xi32>
      %parallel_loop3A_519 = arith.constant 128 : i32
      %parallel_loop3A_520 = arith.muli %parallel_loop3A_457, %parallel_loop3A_519 : i32
      %parallel_loop3A_521 = arith.constant 64 : i32
      %parallel_loop3A_522 = arith.addi %parallel_loop3A_520, %parallel_loop3A_521 : i32
      %parallel_loop3A_523 = arith.constant 1 : i32
      %parallel_loop3A_524 = arith.index_cast %parallel_loop3A_523 : i32 to index
      %parallel_loop3A_525 = arith.index_cast %parallel_loop3A_522 : i32 to index
      %parallel_loop3A_526 = tpu.vector_load %arg4[%parallel_loop3A_524, %parallel_loop3A_525] {strides = array<i32>} : memref<2x32768xf32, #tpu.memory_space<vmem>>, vector<16xf32>,
      %parallel_loop3A_527 = arith.cmpf olt, %parallel_loop3A_526, %parallel_loop3A_462 : vector<16xf32>
      %parallel_loop3A_528 = arith.select %parallel_loop3A_527, %parallel_loop3A_526, %parallel_loop3A_462 : vector<16xi1>, vector<16xf32>
      %parallel_loop3A_529 = arith.select %parallel_loop3A_527, %parallel_loop3A_474, %parallel_loop3A_470 : vector<16xi1>, vector<16xi32>
      %parallel_loop3A_530 = arith.constant 128 : i32
      %parallel_loop3A_531 = arith.muli %parallel_loop3A_457, %parallel_loop3A_530 : i32
      %parallel_loop3A_532 = arith.constant 80 : i32
      %parallel_loop3A_533 = arith.addi %parallel_loop3A_531, %parallel_loop3A_532 : i32
      %parallel_loop3A_534 = arith.constant 1 : i32
      %parallel_loop3A_535 = arith.index_cast %parallel_loop3A_534 : i32 to index
      %parallel_loop3A_536 = arith.index_cast %parallel_loop3A_533 : i32 to index
      %parallel_loop3A_537 = tpu.vector_load %arg4[%parallel_loop3A_535, %parallel_loop3A_536] {strides = array<i32>} : memref<2x32768xf32, #tpu.memory_space<vmem>>, vector<16xf32>,
      %parallel_loop3A_538 = arith.cmpf olt, %parallel_loop3A_537, %parallel_loop3A_463 : vector<16xf32>
      %parallel_loop3A_539 = arith.select %parallel_loop3A_538, %parallel_loop3A_537, %parallel_loop3A_463 : vector<16xi1>, vector<16xf32>
      %parallel_loop3A_540 = arith.select %parallel_loop3A_538, %parallel_loop3A_474, %parallel_loop3A_471 : vector<16xi1>, vector<16xi32>
      %parallel_loop3A_541 = arith.constant 128 : i32
      %parallel_loop3A_542 = arith.muli %parallel_loop3A_457, %parallel_loop3A_541 : i32
      %parallel_loop3A_543 = arith.constant 96 : i32
      %parallel_loop3A_544 = arith.addi %parallel_loop3A_542, %parallel_loop3A_543 : i32
      %parallel_loop3A_545 = arith.constant 1 : i32
      %parallel_loop3A_546 = arith.index_cast %parallel_loop3A_545 : i32 to index
      %parallel_loop3A_547 = arith.index_cast %parallel_loop3A_544 : i32 to index
      %parallel_loop3A_548 = tpu.vector_load %arg4[%parallel_loop3A_546, %parallel_loop3A_547] {strides = array<i32>} : memref<2x32768xf32, #tpu.memory_space<vmem>>, vector<16xf32>,
      %parallel_loop3A_549 = arith.cmpf olt, %parallel_loop3A_548, %parallel_loop3A_464 : vector<16xf32>
      %parallel_loop3A_550 = arith.select %parallel_loop3A_549, %parallel_loop3A_548, %parallel_loop3A_464 : vector<16xi1>, vector<16xf32>
      %parallel_loop3A_551 = arith.select %parallel_loop3A_549, %parallel_loop3A_474, %parallel_loop3A_472 : vector<16xi1>, vector<16xi32>
      %parallel_loop3A_552 = arith.constant 128 : i32
      %parallel_loop3A_553 = arith.muli %parallel_loop3A_457, %parallel_loop3A_552 : i32
      %parallel_loop3A_554 = arith.constant 112 : i32
      %parallel_loop3A_555 = arith.addi %parallel_loop3A_553, %parallel_loop3A_554 : i32
      %parallel_loop3A_556 = arith.constant 1 : i32
      %parallel_loop3A_557 = arith.index_cast %parallel_loop3A_556 : i32 to index
      %parallel_loop3A_558 = arith.index_cast %parallel_loop3A_555 : i32 to index
      %parallel_loop3A_559 = tpu.vector_load %arg4[%parallel_loop3A_557, %parallel_loop3A_558] {strides = array<i32>} : memref<2x32768xf32, #tpu.memory_space<vmem>>, vector<16xf32>,
      %parallel_loop3A_560 = arith.cmpf olt, %parallel_loop3A_559, %parallel_loop3A_465 : vector<16xf32>
      %parallel_loop3A_561 = arith.select %parallel_loop3A_560, %parallel_loop3A_559, %parallel_loop3A_465 : vector<16xi1>, vector<16xf32>
      %parallel_loop3A_562 = arith.select %parallel_loop3A_560, %parallel_loop3A_474, %parallel_loop3A_473 : vector<16xi1>, vector<16xi32>
      scf.yield %parallel_loop3A_484, %parallel_loop3A_495, %parallel_loop3A_506, %parallel_loop3A_517, %parallel_loop3A_528, %parallel_loop3A_539, %parallel_loop3A_550, %parallel_loop3A_561, %parallel_loop3A_485, %parallel_loop3A_496, %parallel_loop3A_507, %parallel_loop3A_518, %parallel_loop3A_529, %parallel_loop3A_540, %parallel_loop3A_551, %parallel_loop3A_562 : vector<16xf32>, vector<16xf32>, vector<16xf32>, vector<16xf32>, vector<16xf32>, vector<16xf32>, vector<16xf32>, vector<16xf32>, vector<16xi32>, vector<16xi32>, vector<16xi32>, vector<16xi32>, vector<16xi32>, vector<16xi32>, vector<16xi32>, vector<16xi32>
    } {sc.loop_unroll_factor = 4 : i64, sc.parallel_access}
    %mul3A_285 = arith.constant 128 : i32
    %mul3A_286 = vector.broadcast %mul3A_285 : i32 to vector<16xi32>
    %mul3A_287 = arith.muli %parallel_loop3A_284#8, %mul3A_286 : vector<16xi32>
    %add3A_288 = arith.addi %mul3A_287, %iota3A : vector<16xi32>
    %mul3A_289 = arith.constant 128 : i32
    %mul3A_290 = vector.broadcast %mul3A_289 : i32 to vector<16xi32>
    %mul3A_291 = arith.muli %parallel_loop3A_284#9, %mul3A_290 : vector<16xi32>
    %add3A_292 = arith.constant 16 : i32
    %add3A_293 = vector.broadcast %add3A_292 : i32 to vector<16xi32>
    %add3A_294 = arith.addi %add3A_293, %iota3A : vector<16xi32>
    %add3A_295 = arith.addi %mul3A_291, %add3A_294 : vector<16xi32>
    %lt3A_296 = arith.cmpf olt, %parallel_loop3A_284#1, %parallel_loop3A_284#0 : vector<16xf32>
    %eq3A_297 = arith.cmpf oeq, %parallel_loop3A_284#1, %parallel_loop3A_284#0 : vector<16xf32>
    %lt3A_298 = arith.cmpi slt, %add3A_295, %add3A_288 : vector<16xi32>
    %and3A_299 = arith.andi %eq3A_297, %lt3A_298 : vector<16xi1>
    %or3A_300 = arith.ori %lt3A_296, %and3A_299 : vector<16xi1>
    %select_n3A_301 = arith.select %or3A_300, %parallel_loop3A_284#1, %parallel_loop3A_284#0 : vector<16xi1>, vector<16xf32>
    %select_n3A_302 = arith.select %or3A_300, %add3A_295, %add3A_288 : vector<16xi1>, vector<16xi32>
    %mul3A_303 = arith.constant 128 : i32
    %mul3A_304 = vector.broadcast %mul3A_303 : i32 to vector<16xi32>
    %mul3A_305 = arith.muli %parallel_loop3A_284#10, %mul3A_304 : vector<16xi32>
    %add3A_306 = arith.constant 32 : i32
    %add3A_307 = vector.broadcast %add3A_306 : i32 to vector<16xi32>
    %add3A_308 = arith.addi %add3A_307, %iota3A : vector<16xi32>
    %add3A_309 = arith.addi %mul3A_305, %add3A_308 : vector<16xi32>
    %lt3A_310 = arith.cmpf olt, %parallel_loop3A_284#2, %select_n3A_301 : vector<16xf32>
    %eq3A_311 = arith.cmpf oeq, %parallel_loop3A_284#2, %select_n3A_301 : vector<16xf32>
    %lt3A_312 = arith.cmpi slt, %add3A_309, %select_n3A_302 : vector<16xi32>
    %and3A_313 = arith.andi %eq3A_311, %lt3A_312 : vector<16xi1>
    %or3A_314 = arith.ori %lt3A_310, %and3A_313 : vector<16xi1>
    %select_n3A_315 = arith.select %or3A_314, %parallel_loop3A_284#2, %select_n3A_301 : vector<16xi1>, vector<16xf32>
    %select_n3A_316 = arith.select %or3A_314, %add3A_309, %select_n3A_302 : vector<16xi1>, vector<16xi32>
    %mul3A_317 = arith.constant 128 : i32
    %mul3A_318 = vector.broadcast %mul3A_317 : i32 to vector<16xi32>
    %mul3A_319 = arith.muli %parallel_loop3A_284#11, %mul3A_318 : vector<16xi32>
    %add3A_320 = arith.constant 48 : i32
    %add3A_321 = vector.broadcast %add3A_320 : i32 to vector<16xi32>
    %add3A_322 = arith.addi %add3A_321, %iota3A : vector<16xi32>
    %add3A_323 = arith.addi %mul3A_319, %add3A_322 : vector<16xi32>
    %lt3A_324 = arith.cmpf olt, %parallel_loop3A_284#3, %select_n3A_315 : vector<16xf32>
    %eq3A_325 = arith.cmpf oeq, %parallel_loop3A_284#3, %select_n3A_315 : vector<16xf32>
    %lt3A_326 = arith.cmpi slt, %add3A_323, %select_n3A_316 : vector<16xi32>
    %and3A_327 = arith.andi %eq3A_325, %lt3A_326 : vector<16xi1>
    %or3A_328 = arith.ori %lt3A_324, %and3A_327 : vector<16xi1>
    %select_n3A_329 = arith.select %or3A_328, %parallel_loop3A_284#3, %select_n3A_315 : vector<16xi1>, vector<16xf32>
    %select_n3A_330 = arith.select %or3A_328, %add3A_323, %select_n3A_316 : vector<16xi1>, vector<16xi32>
    %mul3A_331 = arith.constant 128 : i32
    %mul3A_332 = vector.broadcast %mul3A_331 : i32 to vector<16xi32>
    %mul3A_333 = arith.muli %parallel_loop3A_284#12, %mul3A_332 : vector<16xi32>
    %add3A_334 = arith.constant 64 : i32
    %add3A_335 = vector.broadcast %add3A_334 : i32 to vector<16xi32>
    %add3A_336 = arith.addi %add3A_335, %iota3A : vector<16xi32>
    %add3A_337 = arith.addi %mul3A_333, %add3A_336 : vector<16xi32>
    %lt3A_338 = arith.cmpf olt, %parallel_loop3A_284#4, %select_n3A_329 : vector<16xf32>
    %eq3A_339 = arith.cmpf oeq, %parallel_loop3A_284#4, %select_n3A_329 : vector<16xf32>
    %lt3A_340 = arith.cmpi slt, %add3A_337, %select_n3A_330 : vector<16xi32>
    %and3A_341 = arith.andi %eq3A_339, %lt3A_340 : vector<16xi1>
    %or3A_342 = arith.ori %lt3A_338, %and3A_341 : vector<16xi1>
    %select_n3A_343 = arith.select %or3A_342, %parallel_loop3A_284#4, %select_n3A_329 : vector<16xi1>, vector<16xf32>
    %select_n3A_344 = arith.select %or3A_342, %add3A_337, %select_n3A_330 : vector<16xi1>, vector<16xi32>
    %mul3A_345 = arith.constant 128 : i32
    %mul3A_346 = vector.broadcast %mul3A_345 : i32 to vector<16xi32>
    %mul3A_347 = arith.muli %parallel_loop3A_284#13, %mul3A_346 : vector<16xi32>
    %add3A_348 = arith.constant 80 : i32
    %add3A_349 = vector.broadcast %add3A_348 : i32 to vector<16xi32>
    %add3A_350 = arith.addi %add3A_349, %iota3A : vector<16xi32>
    %add3A_351 = arith.addi %mul3A_347, %add3A_350 : vector<16xi32>
    %lt3A_352 = arith.cmpf olt, %parallel_loop3A_284#5, %select_n3A_343 : vector<16xf32>
    %eq3A_353 = arith.cmpf oeq, %parallel_loop3A_284#5, %select_n3A_343 : vector<16xf32>
    %lt3A_354 = arith.cmpi slt, %add3A_351, %select_n3A_344 : vector<16xi32>
    %and3A_355 = arith.andi %eq3A_353, %lt3A_354 : vector<16xi1>
    %or3A_356 = arith.ori %lt3A_352, %and3A_355 : vector<16xi1>
    %select_n3A_357 = arith.select %or3A_356, %parallel_loop3A_284#5, %select_n3A_343 : vector<16xi1>, vector<16xf32>
    %select_n3A_358 = arith.select %or3A_356, %add3A_351, %select_n3A_344 : vector<16xi1>, vector<16xi32>
    %mul3A_359 = arith.constant 128 : i32
    %mul3A_360 = vector.broadcast %mul3A_359 : i32 to vector<16xi32>
    %mul3A_361 = arith.muli %parallel_loop3A_284#14, %mul3A_360 : vector<16xi32>
    %add3A_362 = arith.constant 96 : i32
    %add3A_363 = vector.broadcast %add3A_362 : i32 to vector<16xi32>
    %add3A_364 = arith.addi %add3A_363, %iota3A : vector<16xi32>
    %add3A_365 = arith.addi %mul3A_361, %add3A_364 : vector<16xi32>
    %lt3A_366 = arith.cmpf olt, %parallel_loop3A_284#6, %select_n3A_357 : vector<16xf32>
    %eq3A_367 = arith.cmpf oeq, %parallel_loop3A_284#6, %select_n3A_357 : vector<16xf32>
    %lt3A_368 = arith.cmpi slt, %add3A_365, %select_n3A_358 : vector<16xi32>
    %and3A_369 = arith.andi %eq3A_367, %lt3A_368 : vector<16xi1>
    %or3A_370 = arith.ori %lt3A_366, %and3A_369 : vector<16xi1>
    %select_n3A_371 = arith.select %or3A_370, %parallel_loop3A_284#6, %select_n3A_357 : vector<16xi1>, vector<16xf32>
    %select_n3A_372 = arith.select %or3A_370, %add3A_365, %select_n3A_358 : vector<16xi1>, vector<16xi32>
    %mul3A_373 = arith.constant 128 : i32
    %mul3A_374 = vector.broadcast %mul3A_373 : i32 to vector<16xi32>
    %mul3A_375 = arith.muli %parallel_loop3A_284#15, %mul3A_374 : vector<16xi32>
    %add3A_376 = arith.constant 112 : i32
    %add3A_377 = vector.broadcast %add3A_376 : i32 to vector<16xi32>
    %add3A_378 = arith.addi %add3A_377, %iota3A : vector<16xi32>
    %add3A_379 = arith.addi %mul3A_375, %add3A_378 : vector<16xi32>
    %lt3A_380 = arith.cmpf olt, %parallel_loop3A_284#7, %select_n3A_371 : vector<16xf32>
    %eq3A_381 = arith.cmpf oeq, %parallel_loop3A_284#7, %select_n3A_371 : vector<16xf32>
    %lt3A_382 = arith.cmpi slt, %add3A_379, %select_n3A_372 : vector<16xi32>
    %and3A_383 = arith.andi %eq3A_381, %lt3A_382 : vector<16xi1>
    %or3A_384 = arith.ori %lt3A_380, %and3A_383 : vector<16xi1>
    %select_n3A_385 = arith.select %or3A_384, %parallel_loop3A_284#7, %select_n3A_371 : vector<16xi1>, vector<16xf32>
    %select_n3A_386 = arith.select %or3A_384, %add3A_379, %select_n3A_372 : vector<16xi1>, vector<16xi32>
    %swap3A_387 = arith.constant 0 : index
    %swap3A_388 = tpu.vector_load %arg6[%swap3A_387] {strides = array<i32>} : memref<16xf32, #tpu.memory_space<vmem>>, vector<16xf32>,
    tpu.vector_store %arg6[%swap3A_387], %select_n3A_385 {strides = array<i32>} : memref<16xf32, #tpu.memory_space<vmem>>, vector<16xf32>,
    %swap3A_389 = arith.constant 0 : index
    %swap3A_390 = tpu.vector_load %arg7[%swap3A_389] {strides = array<i32>} : memref<16xi32, #tpu.memory_space<vmem>>, vector<16xi32>,
    tpu.vector_store %arg7[%swap3A_389], %select_n3A_386 {strides = array<i32>} : memref<16xi32, #tpu.memory_space<vmem>>, vector<16xi32>,
    %xor3A_391 = arith.constant 8 : i32
    %xor3A_392 = vector.broadcast %xor3A_391 : i32 to vector<16xi32>
    %xor3A_393 = arith.xori %iota3A, %xor3A_392 : vector<16xi32>
    %gather3A_394 = tpu.vector_load_idx %arg6[%xor3A_393] : memref<16xf32, #tpu.memory_space<vmem>>[vector<16xi32>], vector<16xf32>,
    %gather3A_395 = tpu.vector_load_idx %arg7[%xor3A_393] : memref<16xi32, #tpu.memory_space<vmem>>[vector<16xi32>], vector<16xi32>,
    %lt3A_396 = arith.cmpf olt, %gather3A_394, %select_n3A_385 : vector<16xf32>
    %eq3A_397 = arith.cmpf oeq, %gather3A_394, %select_n3A_385 : vector<16xf32>
    %lt3A_398 = arith.cmpi slt, %gather3A_395, %select_n3A_386 : vector<16xi32>
    %and3A_399 = arith.andi %eq3A_397, %lt3A_398 : vector<16xi1>
    %or3A_400 = arith.ori %lt3A_396, %and3A_399 : vector<16xi1>
    %select_n3A_401 = arith.select %or3A_400, %gather3A_394, %select_n3A_385 : vector<16xi1>, vector<16xf32>
    %select_n3A_402 = arith.select %or3A_400, %gather3A_395, %select_n3A_386 : vector<16xi1>, vector<16xi32>
    %swap3A_403 = arith.constant 0 : index
    %swap3A_404 = tpu.vector_load %arg6[%swap3A_403] {strides = array<i32>} : memref<16xf32, #tpu.memory_space<vmem>>, vector<16xf32>,
    tpu.vector_store %arg6[%swap3A_403], %select_n3A_401 {strides = array<i32>} : memref<16xf32, #tpu.memory_space<vmem>>, vector<16xf32>,
    %swap3A_405 = arith.constant 0 : index
    %swap3A_406 = tpu.vector_load %arg7[%swap3A_405] {strides = array<i32>} : memref<16xi32, #tpu.memory_space<vmem>>, vector<16xi32>,
    tpu.vector_store %arg7[%swap3A_405], %select_n3A_402 {strides = array<i32>} : memref<16xi32, #tpu.memory_space<vmem>>, vector<16xi32>,
    %xor3A_407 = arith.constant 4 : i32
    %xor3A_408 = vector.broadcast %xor3A_407 : i32 to vector<16xi32>
    %xor3A_409 = arith.xori %iota3A, %xor3A_408 : vector<16xi32>
    %gather3A_410 = tpu.vector_load_idx %arg6[%xor3A_409] : memref<16xf32, #tpu.memory_space<vmem>>[vector<16xi32>], vector<16xf32>,
    %gather3A_411 = tpu.vector_load_idx %arg7[%xor3A_409] : memref<16xi32, #tpu.memory_space<vmem>>[vector<16xi32>], vector<16xi32>,
    %lt3A_412 = arith.cmpf olt, %gather3A_410, %select_n3A_401 : vector<16xf32>
    %eq3A_413 = arith.cmpf oeq, %gather3A_410, %select_n3A_401 : vector<16xf32>
    %lt3A_414 = arith.cmpi slt, %gather3A_411, %select_n3A_402 : vector<16xi32>
    %and3A_415 = arith.andi %eq3A_413, %lt3A_414 : vector<16xi1>
    %or3A_416 = arith.ori %lt3A_412, %and3A_415 : vector<16xi1>
    %select_n3A_417 = arith.select %or3A_416, %gather3A_410, %select_n3A_401 : vector<16xi1>, vector<16xf32>
    %select_n3A_418 = arith.select %or3A_416, %gather3A_411, %select_n3A_402 : vector<16xi1>, vector<16xi32>
    %swap3A_419 = arith.constant 0 : index
    %swap3A_420 = tpu.vector_load %arg6[%swap3A_419] {strides = array<i32>} : memref<16xf32, #tpu.memory_space<vmem>>, vector<16xf32>,
    tpu.vector_store %arg6[%swap3A_419], %select_n3A_417 {strides = array<i32>} : memref<16xf32, #tpu.memory_space<vmem>>, vector<16xf32>,
    %swap3A_421 = arith.constant 0 : index
    %swap3A_422 = tpu.vector_load %arg7[%swap3A_421] {strides = array<i32>} : memref<16xi32, #tpu.memory_space<vmem>>, vector<16xi32>,
    tpu.vector_store %arg7[%swap3A_421], %select_n3A_418 {strides = array<i32>} : memref<16xi32, #tpu.memory_space<vmem>>, vector<16xi32>,
    %xor3A_423 = arith.constant 2 : i32
    %xor3A_424 = vector.broadcast %xor3A_423 : i32 to vector<16xi32>
    %xor3A_425 = arith.xori %iota3A, %xor3A_424 : vector<16xi32>
    %gather3A_426 = tpu.vector_load_idx %arg6[%xor3A_425] : memref<16xf32, #tpu.memory_space<vmem>>[vector<16xi32>], vector<16xf32>,
    %gather3A_427 = tpu.vector_load_idx %arg7[%xor3A_425] : memref<16xi32, #tpu.memory_space<vmem>>[vector<16xi32>], vector<16xi32>,
    %lt3A_428 = arith.cmpf olt, %gather3A_426, %select_n3A_417 : vector<16xf32>
    %eq3A_429 = arith.cmpf oeq, %gather3A_426, %select_n3A_417 : vector<16xf32>
    %lt3A_430 = arith.cmpi slt, %gather3A_427, %select_n3A_418 : vector<16xi32>
    %and3A_431 = arith.andi %eq3A_429, %lt3A_430 : vector<16xi1>
    %or3A_432 = arith.ori %lt3A_428, %and3A_431 : vector<16xi1>
    %select_n3A_433 = arith.select %or3A_432, %gather3A_426, %select_n3A_417 : vector<16xi1>, vector<16xf32>
    %select_n3A_434 = arith.select %or3A_432, %gather3A_427, %select_n3A_418 : vector<16xi1>, vector<16xi32>
    %swap3A_435 = arith.constant 0 : index
    %swap3A_436 = tpu.vector_load %arg6[%swap3A_435] {strides = array<i32>} : memref<16xf32, #tpu.memory_space<vmem>>, vector<16xf32>,
    tpu.vector_store %arg6[%swap3A_435], %select_n3A_433 {strides = array<i32>} : memref<16xf32, #tpu.memory_space<vmem>>, vector<16xf32>,
    %swap3A_437 = arith.constant 0 : index
    %swap3A_438 = tpu.vector_load %arg7[%swap3A_437] {strides = array<i32>} : memref<16xi32, #tpu.memory_space<vmem>>, vector<16xi32>,
    tpu.vector_store %arg7[%swap3A_437], %select_n3A_434 {strides = array<i32>} : memref<16xi32, #tpu.memory_space<vmem>>, vector<16xi32>,
    %xor3A_439 = arith.constant 1 : i32
    %xor3A_440 = vector.broadcast %xor3A_439 : i32 to vector<16xi32>
    %xor3A_441 = arith.xori %iota3A, %xor3A_440 : vector<16xi32>
    %gather3A_442 = tpu.vector_load_idx %arg6[%xor3A_441] : memref<16xf32, #tpu.memory_space<vmem>>[vector<16xi32>], vector<16xf32>,
    %gather3A_443 = tpu.vector_load_idx %arg7[%xor3A_441] : memref<16xi32, #tpu.memory_space<vmem>>[vector<16xi32>], vector<16xi32>,
    %lt3A_444 = arith.cmpf olt, %gather3A_442, %select_n3A_433 : vector<16xf32>
    %eq3A_445 = arith.cmpf oeq, %gather3A_442, %select_n3A_433 : vector<16xf32>
    %lt3A_446 = arith.cmpi slt, %gather3A_443, %select_n3A_434 : vector<16xi32>
    %and3A_447 = arith.andi %eq3A_445, %lt3A_446 : vector<16xi1>
    %or3A_448 = arith.ori %lt3A_444, %and3A_447 : vector<16xi1>
    %select_n3A_449 = arith.select %or3A_448, %gather3A_442, %select_n3A_433 : vector<16xi1>, vector<16xf32>
    %select_n3A_450 = arith.select %or3A_448, %gather3A_443, %select_n3A_434 : vector<16xi1>, vector<16xi32>
    %eq3A_451 = arith.constant 0 : i32
    %eq3A_452 = vector.broadcast %eq3A_451 : i32 to vector<16xi32>
    %eq3A_453 = arith.cmpi eq, %iota3A, %eq3A_452 : vector<16xi32>
    %select_n3A_454 = arith.select %eq3A_453, %select_n3A_233, %select_n3A_450 : vector<16xi1>, vector<16xi32>
    %swap3A_455 = arith.constant 0 : index
    %swap3A_456 = tpu.vector_load %arg5[%swap3A_455] {strides = array<i32>} : memref<16xi32, #tpu.memory_space<vmem>>, vector<16xi32>,
    tpu.vector_store %arg5[%swap3A_455], %select_n3A_454 {strides = array<i32>} : memref<16xi32, #tpu.memory_space<vmem>>, vector<16xi32>,
    "tpu.region"() ({
      %run_scoped3A = tpu.sem_alloc : memref<!tpu.dma_semaphore, #tpu.memory_space<semaphore_mem>>
      %dma_start3A_457 = arith.constant 0 : i32
      %dma_start3A_458 = tpu.memref_slice %arg3[%add3A, %dma_start3A_457] : memref<32x16xi32, #tpu.memory_space<hbm>> -> memref<1x16xi32, #tpu.memory_space<hbm>>
      %dma_start3A_459 = tpu.memref_squeeze %dma_start3A_458 : memref<1x16xi32, #tpu.memory_space<hbm>> -> memref<16xi32, #tpu.memory_space<hbm>>
      %dma_start3A_460 = arith.constant 0 : i32
      %dma_start3A_461 = tpu.memref_slice %arg3[%add3A, %dma_start3A_460] : memref<32x16xi32, #tpu.memory_space<hbm>> -> memref<1x16xi32, #tpu.memory_space<hbm>>
      %dma_start3A_462 = tpu.memref_squeeze %dma_start3A_461 : memref<1x16xi32, #tpu.memory_space<hbm>> -> memref<16xi32, #tpu.memory_space<hbm>>
      tpu.enqueue_dma source(%arg5 : memref<16xi32, #tpu.memory_space<vmem>>) target(%dma_start3A_462 : memref<16xi32, #tpu.memory_space<hbm>>) target_semaphore(%run_scoped3A : memref<!tpu.dma_semaphore, #tpu.memory_space<semaphore_mem>>)
      %dma_wait3A_463 = arith.constant 0 : i32
      %dma_wait3A_464 = tpu.memref_slice %arg3[%add3A, %dma_wait3A_463] : memref<32x16xi32, #tpu.memory_space<hbm>> -> memref<1x16xi32, #tpu.memory_space<hbm>>
      %dma_wait3A_465 = tpu.memref_squeeze %dma_wait3A_464 : memref<1x16xi32, #tpu.memory_space<hbm>> -> memref<16xi32, #tpu.memory_space<hbm>>
      %dma_wait3A_466 = arith.constant 0 : i32
      %dma_wait3A_467 = tpu.memref_slice %arg3[%add3A, %dma_wait3A_466] : memref<32x16xi32, #tpu.memory_space<hbm>> -> memref<1x16xi32, #tpu.memory_space<hbm>>
      %dma_wait3A_468 = tpu.memref_squeeze %dma_wait3A_467 : memref<1x16xi32, #tpu.memory_space<hbm>> -> memref<16xi32, #tpu.memory_space<hbm>>
      tpu.wait_dma2 semaphore(%run_scoped3A : memref<!tpu.dma_semaphore, #tpu.memory_space<semaphore_mem>>) src(%arg5 : memref<16xi32, #tpu.memory_space<vmem>>) dst(%dma_wait3A_468 : memref<16xi32, #tpu.memory_space<hbm>>)
      tpu.yield
    }) : () -> ()
    return
  }
}

module attributes {stable_mosaic.version = 14 : i64} {
  func.func @_tc_body(%arg0: i32, %arg1: memref<8x32768xf32, #tpu.memory_space<vmem>>, %arg2: memref<8x1xi32, #tpu.memory_space<vmem>>) attributes {dimension_semantics = [#tpu.dimension_semantics<arbitrary>], iteration_bounds = array<i64: 8>, scalar_prefetch = 0 : i64, scratch_operands = 0 : i64, tpu.core_type = #tpu.core_type<tc>, window_params = [{transform_indices = @transform_0, window_bounds = array<i64: 8, 32768>}, {transform_indices = @transform_1, window_bounds = array<i64: 8, 1>}]} {
    %broadcast_in_dim3A = arith.constant 0x7F800000 : f32
    %broadcast_in_dim3A_0 = vector.broadcast %broadcast_in_dim3A : f32 to vector<8x1024xf32>
    %broadcast_in_dim3A_1 = arith.constant 0 : i32
    %broadcast_in_dim3A_2 = vector.broadcast %broadcast_in_dim3A_1 : i32 to vector<8x1024xi32>
    %get3A = arith.constant 0 : index
    %get3A_3 = arith.constant 0 : index
    %get3A_4 = vector.load %arg1[%get3A, %get3A_3] : memref<8x32768xf32, #tpu.memory_space<vmem>>, vector<8x1024xf32>
    %lt3A = arith.cmpf olt, %get3A_4, %broadcast_in_dim3A_0 : vector<8x1024xf32>
    %select_n3A = arith.select %lt3A, %get3A_4, %broadcast_in_dim3A_0 : vector<8x1024xi1>, vector<8x1024xf32>
    %jit3A = arith.constant 0 : i32
    %broadcast_in_dim3A_5 = vector.broadcast %jit3A : i32 to vector<8x1024xi32>
    %select_n3A_6 = arith.select %lt3A, %broadcast_in_dim3A_5, %broadcast_in_dim3A_2 : vector<8x1024xi1>, vector<8x1024xi32>
    %get3A_7 = arith.constant 0 : index
    %get3A_8 = arith.constant 1024 : index
    %get3A_9 = vector.load %arg1[%get3A_7, %get3A_8] : memref<8x32768xf32, #tpu.memory_space<vmem>>, vector<8x1024xf32>
    %lt3A_10 = arith.cmpf olt, %get3A_9, %select_n3A : vector<8x1024xf32>
    %select_n3A_11 = arith.select %lt3A_10, %get3A_9, %select_n3A : vector<8x1024xi1>, vector<8x1024xf32>
    %jit3A_12 = arith.constant 1 : i32
    %broadcast_in_dim3A_13 = vector.broadcast %jit3A_12 : i32 to vector<8x1024xi32>
    %select_n3A_14 = arith.select %lt3A_10, %broadcast_in_dim3A_13, %select_n3A_6 : vector<8x1024xi1>, vector<8x1024xi32>
    %get3A_15 = arith.constant 0 : index
    %get3A_16 = arith.constant 2048 : index
    %get3A_17 = vector.load %arg1[%get3A_15, %get3A_16] : memref<8x32768xf32, #tpu.memory_space<vmem>>, vector<8x1024xf32>
    %lt3A_18 = arith.cmpf olt, %get3A_17, %select_n3A_11 : vector<8x1024xf32>
    %select_n3A_19 = arith.select %lt3A_18, %get3A_17, %select_n3A_11 : vector<8x1024xi1>, vector<8x1024xf32>
    %jit3A_20 = arith.constant 2 : i32
    %broadcast_in_dim3A_21 = vector.broadcast %jit3A_20 : i32 to vector<8x1024xi32>
    %select_n3A_22 = arith.select %lt3A_18, %broadcast_in_dim3A_21, %select_n3A_14 : vector<8x1024xi1>, vector<8x1024xi32>
    %get3A_23 = arith.constant 0 : index
    %get3A_24 = arith.constant 3072 : index
    %get3A_25 = vector.load %arg1[%get3A_23, %get3A_24] : memref<8x32768xf32, #tpu.memory_space<vmem>>, vector<8x1024xf32>
    %lt3A_26 = arith.cmpf olt, %get3A_25, %select_n3A_19 : vector<8x1024xf32>
    %select_n3A_27 = arith.select %lt3A_26, %get3A_25, %select_n3A_19 : vector<8x1024xi1>, vector<8x1024xf32>
    %jit3A_28 = arith.constant 3 : i32
    %broadcast_in_dim3A_29 = vector.broadcast %jit3A_28 : i32 to vector<8x1024xi32>
    %select_n3A_30 = arith.select %lt3A_26, %broadcast_in_dim3A_29, %select_n3A_22 : vector<8x1024xi1>, vector<8x1024xi32>
    %get3A_31 = arith.constant 0 : index
    %get3A_32 = arith.constant 4096 : index
    %get3A_33 = vector.load %arg1[%get3A_31, %get3A_32] : memref<8x32768xf32, #tpu.memory_space<vmem>>, vector<8x1024xf32>
    %lt3A_34 = arith.cmpf olt, %get3A_33, %select_n3A_27 : vector<8x1024xf32>
    %select_n3A_35 = arith.select %lt3A_34, %get3A_33, %select_n3A_27 : vector<8x1024xi1>, vector<8x1024xf32>
    %jit3A_36 = arith.constant 4 : i32
    %broadcast_in_dim3A_37 = vector.broadcast %jit3A_36 : i32 to vector<8x1024xi32>
    %select_n3A_38 = arith.select %lt3A_34, %broadcast_in_dim3A_37, %select_n3A_30 : vector<8x1024xi1>, vector<8x1024xi32>
    %get3A_39 = arith.constant 0 : index
    %get3A_40 = arith.constant 5120 : index
    %get3A_41 = vector.load %arg1[%get3A_39, %get3A_40] : memref<8x32768xf32, #tpu.memory_space<vmem>>, vector<8x1024xf32>
    %lt3A_42 = arith.cmpf olt, %get3A_41, %select_n3A_35 : vector<8x1024xf32>
    %select_n3A_43 = arith.select %lt3A_42, %get3A_41, %select_n3A_35 : vector<8x1024xi1>, vector<8x1024xf32>
    %jit3A_44 = arith.constant 5 : i32
    %broadcast_in_dim3A_45 = vector.broadcast %jit3A_44 : i32 to vector<8x1024xi32>
    %select_n3A_46 = arith.select %lt3A_42, %broadcast_in_dim3A_45, %select_n3A_38 : vector<8x1024xi1>, vector<8x1024xi32>
    %get3A_47 = arith.constant 0 : index
    %get3A_48 = arith.constant 6144 : index
    %get3A_49 = vector.load %arg1[%get3A_47, %get3A_48] : memref<8x32768xf32, #tpu.memory_space<vmem>>, vector<8x1024xf32>
    %lt3A_50 = arith.cmpf olt, %get3A_49, %select_n3A_43 : vector<8x1024xf32>
    %select_n3A_51 = arith.select %lt3A_50, %get3A_49, %select_n3A_43 : vector<8x1024xi1>, vector<8x1024xf32>
    %jit3A_52 = arith.constant 6 : i32
    %broadcast_in_dim3A_53 = vector.broadcast %jit3A_52 : i32 to vector<8x1024xi32>
    %select_n3A_54 = arith.select %lt3A_50, %broadcast_in_dim3A_53, %select_n3A_46 : vector<8x1024xi1>, vector<8x1024xi32>
    %get3A_55 = arith.constant 0 : index
    %get3A_56 = arith.constant 7168 : index
    %get3A_57 = vector.load %arg1[%get3A_55, %get3A_56] : memref<8x32768xf32, #tpu.memory_space<vmem>>, vector<8x1024xf32>
    %lt3A_58 = arith.cmpf olt, %get3A_57, %select_n3A_51 : vector<8x1024xf32>
    %select_n3A_59 = arith.select %lt3A_58, %get3A_57, %select_n3A_51 : vector<8x1024xi1>, vector<8x1024xf32>
    %jit3A_60 = arith.constant 7 : i32
    %broadcast_in_dim3A_61 = vector.broadcast %jit3A_60 : i32 to vector<8x1024xi32>
    %select_n3A_62 = arith.select %lt3A_58, %broadcast_in_dim3A_61, %select_n3A_54 : vector<8x1024xi1>, vector<8x1024xi32>
    %get3A_63 = arith.constant 0 : index
    %get3A_64 = arith.constant 8192 : index
    %get3A_65 = vector.load %arg1[%get3A_63, %get3A_64] : memref<8x32768xf32, #tpu.memory_space<vmem>>, vector<8x1024xf32>
    %lt3A_66 = arith.cmpf olt, %get3A_65, %select_n3A_59 : vector<8x1024xf32>
    %select_n3A_67 = arith.select %lt3A_66, %get3A_65, %select_n3A_59 : vector<8x1024xi1>, vector<8x1024xf32>
    %jit3A_68 = arith.constant 8 : i32
    %broadcast_in_dim3A_69 = vector.broadcast %jit3A_68 : i32 to vector<8x1024xi32>
    %select_n3A_70 = arith.select %lt3A_66, %broadcast_in_dim3A_69, %select_n3A_62 : vector<8x1024xi1>, vector<8x1024xi32>
    %get3A_71 = arith.constant 0 : index
    %get3A_72 = arith.constant 9216 : index
    %get3A_73 = vector.load %arg1[%get3A_71, %get3A_72] : memref<8x32768xf32, #tpu.memory_space<vmem>>, vector<8x1024xf32>
    %lt3A_74 = arith.cmpf olt, %get3A_73, %select_n3A_67 : vector<8x1024xf32>
    %select_n3A_75 = arith.select %lt3A_74, %get3A_73, %select_n3A_67 : vector<8x1024xi1>, vector<8x1024xf32>
    %jit3A_76 = arith.constant 9 : i32
    %broadcast_in_dim3A_77 = vector.broadcast %jit3A_76 : i32 to vector<8x1024xi32>
    %select_n3A_78 = arith.select %lt3A_74, %broadcast_in_dim3A_77, %select_n3A_70 : vector<8x1024xi1>, vector<8x1024xi32>
    %get3A_79 = arith.constant 0 : index
    %get3A_80 = arith.constant 10240 : index
    %get3A_81 = vector.load %arg1[%get3A_79, %get3A_80] : memref<8x32768xf32, #tpu.memory_space<vmem>>, vector<8x1024xf32>
    %lt3A_82 = arith.cmpf olt, %get3A_81, %select_n3A_75 : vector<8x1024xf32>
    %select_n3A_83 = arith.select %lt3A_82, %get3A_81, %select_n3A_75 : vector<8x1024xi1>, vector<8x1024xf32>
    %jit3A_84 = arith.constant 10 : i32
    %broadcast_in_dim3A_85 = vector.broadcast %jit3A_84 : i32 to vector<8x1024xi32>
    %select_n3A_86 = arith.select %lt3A_82, %broadcast_in_dim3A_85, %select_n3A_78 : vector<8x1024xi1>, vector<8x1024xi32>
    %get3A_87 = arith.constant 0 : index
    %get3A_88 = arith.constant 11264 : index
    %get3A_89 = vector.load %arg1[%get3A_87, %get3A_88] : memref<8x32768xf32, #tpu.memory_space<vmem>>, vector<8x1024xf32>
    %lt3A_90 = arith.cmpf olt, %get3A_89, %select_n3A_83 : vector<8x1024xf32>
    %select_n3A_91 = arith.select %lt3A_90, %get3A_89, %select_n3A_83 : vector<8x1024xi1>, vector<8x1024xf32>
    %jit3A_92 = arith.constant 11 : i32
    %broadcast_in_dim3A_93 = vector.broadcast %jit3A_92 : i32 to vector<8x1024xi32>
    %select_n3A_94 = arith.select %lt3A_90, %broadcast_in_dim3A_93, %select_n3A_86 : vector<8x1024xi1>, vector<8x1024xi32>
    %get3A_95 = arith.constant 0 : index
    %get3A_96 = arith.constant 12288 : index
    %get3A_97 = vector.load %arg1[%get3A_95, %get3A_96] : memref<8x32768xf32, #tpu.memory_space<vmem>>, vector<8x1024xf32>
    %lt3A_98 = arith.cmpf olt, %get3A_97, %select_n3A_91 : vector<8x1024xf32>
    %select_n3A_99 = arith.select %lt3A_98, %get3A_97, %select_n3A_91 : vector<8x1024xi1>, vector<8x1024xf32>
    %jit3A_100 = arith.constant 12 : i32
    %broadcast_in_dim3A_101 = vector.broadcast %jit3A_100 : i32 to vector<8x1024xi32>
    %select_n3A_102 = arith.select %lt3A_98, %broadcast_in_dim3A_101, %select_n3A_94 : vector<8x1024xi1>, vector<8x1024xi32>
    %get3A_103 = arith.constant 0 : index
    %get3A_104 = arith.constant 13312 : index
    %get3A_105 = vector.load %arg1[%get3A_103, %get3A_104] : memref<8x32768xf32, #tpu.memory_space<vmem>>, vector<8x1024xf32>
    %lt3A_106 = arith.cmpf olt, %get3A_105, %select_n3A_99 : vector<8x1024xf32>
    %select_n3A_107 = arith.select %lt3A_106, %get3A_105, %select_n3A_99 : vector<8x1024xi1>, vector<8x1024xf32>
    %jit3A_108 = arith.constant 13 : i32
    %broadcast_in_dim3A_109 = vector.broadcast %jit3A_108 : i32 to vector<8x1024xi32>
    %select_n3A_110 = arith.select %lt3A_106, %broadcast_in_dim3A_109, %select_n3A_102 : vector<8x1024xi1>, vector<8x1024xi32>
    %get3A_111 = arith.constant 0 : index
    %get3A_112 = arith.constant 14336 : index
    %get3A_113 = vector.load %arg1[%get3A_111, %get3A_112] : memref<8x32768xf32, #tpu.memory_space<vmem>>, vector<8x1024xf32>
    %lt3A_114 = arith.cmpf olt, %get3A_113, %select_n3A_107 : vector<8x1024xf32>
    %select_n3A_115 = arith.select %lt3A_114, %get3A_113, %select_n3A_107 : vector<8x1024xi1>, vector<8x1024xf32>
    %jit3A_116 = arith.constant 14 : i32
    %broadcast_in_dim3A_117 = vector.broadcast %jit3A_116 : i32 to vector<8x1024xi32>
    %select_n3A_118 = arith.select %lt3A_114, %broadcast_in_dim3A_117, %select_n3A_110 : vector<8x1024xi1>, vector<8x1024xi32>
    %get3A_119 = arith.constant 0 : index
    %get3A_120 = arith.constant 15360 : index
    %get3A_121 = vector.load %arg1[%get3A_119, %get3A_120] : memref<8x32768xf32, #tpu.memory_space<vmem>>, vector<8x1024xf32>
    %lt3A_122 = arith.cmpf olt, %get3A_121, %select_n3A_115 : vector<8x1024xf32>
    %select_n3A_123 = arith.select %lt3A_122, %get3A_121, %select_n3A_115 : vector<8x1024xi1>, vector<8x1024xf32>
    %jit3A_124 = arith.constant 15 : i32
    %broadcast_in_dim3A_125 = vector.broadcast %jit3A_124 : i32 to vector<8x1024xi32>
    %select_n3A_126 = arith.select %lt3A_122, %broadcast_in_dim3A_125, %select_n3A_118 : vector<8x1024xi1>, vector<8x1024xi32>
    %get3A_127 = arith.constant 0 : index
    %get3A_128 = arith.constant 16384 : index
    %get3A_129 = vector.load %arg1[%get3A_127, %get3A_128] : memref<8x32768xf32, #tpu.memory_space<vmem>>, vector<8x1024xf32>
    %lt3A_130 = arith.cmpf olt, %get3A_129, %select_n3A_123 : vector<8x1024xf32>
    %select_n3A_131 = arith.select %lt3A_130, %get3A_129, %select_n3A_123 : vector<8x1024xi1>, vector<8x1024xf32>
    %jit3A_132 = arith.constant 16 : i32
    %broadcast_in_dim3A_133 = vector.broadcast %jit3A_132 : i32 to vector<8x1024xi32>
    %select_n3A_134 = arith.select %lt3A_130, %broadcast_in_dim3A_133, %select_n3A_126 : vector<8x1024xi1>, vector<8x1024xi32>
    %get3A_135 = arith.constant 0 : index
    %get3A_136 = arith.constant 17408 : index
    %get3A_137 = vector.load %arg1[%get3A_135, %get3A_136] : memref<8x32768xf32, #tpu.memory_space<vmem>>, vector<8x1024xf32>
    %lt3A_138 = arith.cmpf olt, %get3A_137, %select_n3A_131 : vector<8x1024xf32>
    %select_n3A_139 = arith.select %lt3A_138, %get3A_137, %select_n3A_131 : vector<8x1024xi1>, vector<8x1024xf32>
    %jit3A_140 = arith.constant 17 : i32
    %broadcast_in_dim3A_141 = vector.broadcast %jit3A_140 : i32 to vector<8x1024xi32>
    %select_n3A_142 = arith.select %lt3A_138, %broadcast_in_dim3A_141, %select_n3A_134 : vector<8x1024xi1>, vector<8x1024xi32>
    %get3A_143 = arith.constant 0 : index
    %get3A_144 = arith.constant 18432 : index
    %get3A_145 = vector.load %arg1[%get3A_143, %get3A_144] : memref<8x32768xf32, #tpu.memory_space<vmem>>, vector<8x1024xf32>
    %lt3A_146 = arith.cmpf olt, %get3A_145, %select_n3A_139 : vector<8x1024xf32>
    %select_n3A_147 = arith.select %lt3A_146, %get3A_145, %select_n3A_139 : vector<8x1024xi1>, vector<8x1024xf32>
    %jit3A_148 = arith.constant 18 : i32
    %broadcast_in_dim3A_149 = vector.broadcast %jit3A_148 : i32 to vector<8x1024xi32>
    %select_n3A_150 = arith.select %lt3A_146, %broadcast_in_dim3A_149, %select_n3A_142 : vector<8x1024xi1>, vector<8x1024xi32>
    %get3A_151 = arith.constant 0 : index
    %get3A_152 = arith.constant 19456 : index
    %get3A_153 = vector.load %arg1[%get3A_151, %get3A_152] : memref<8x32768xf32, #tpu.memory_space<vmem>>, vector<8x1024xf32>
    %lt3A_154 = arith.cmpf olt, %get3A_153, %select_n3A_147 : vector<8x1024xf32>
    %select_n3A_155 = arith.select %lt3A_154, %get3A_153, %select_n3A_147 : vector<8x1024xi1>, vector<8x1024xf32>
    %jit3A_156 = arith.constant 19 : i32
    %broadcast_in_dim3A_157 = vector.broadcast %jit3A_156 : i32 to vector<8x1024xi32>
    %select_n3A_158 = arith.select %lt3A_154, %broadcast_in_dim3A_157, %select_n3A_150 : vector<8x1024xi1>, vector<8x1024xi32>
    %get3A_159 = arith.constant 0 : index
    %get3A_160 = arith.constant 20480 : index
    %get3A_161 = vector.load %arg1[%get3A_159, %get3A_160] : memref<8x32768xf32, #tpu.memory_space<vmem>>, vector<8x1024xf32>
    %lt3A_162 = arith.cmpf olt, %get3A_161, %select_n3A_155 : vector<8x1024xf32>
    %select_n3A_163 = arith.select %lt3A_162, %get3A_161, %select_n3A_155 : vector<8x1024xi1>, vector<8x1024xf32>
    %jit3A_164 = arith.constant 20 : i32
    %broadcast_in_dim3A_165 = vector.broadcast %jit3A_164 : i32 to vector<8x1024xi32>
    %select_n3A_166 = arith.select %lt3A_162, %broadcast_in_dim3A_165, %select_n3A_158 : vector<8x1024xi1>, vector<8x1024xi32>
    %get3A_167 = arith.constant 0 : index
    %get3A_168 = arith.constant 21504 : index
    %get3A_169 = vector.load %arg1[%get3A_167, %get3A_168] : memref<8x32768xf32, #tpu.memory_space<vmem>>, vector<8x1024xf32>
    %lt3A_170 = arith.cmpf olt, %get3A_169, %select_n3A_163 : vector<8x1024xf32>
    %select_n3A_171 = arith.select %lt3A_170, %get3A_169, %select_n3A_163 : vector<8x1024xi1>, vector<8x1024xf32>
    %jit3A_172 = arith.constant 21 : i32
    %broadcast_in_dim3A_173 = vector.broadcast %jit3A_172 : i32 to vector<8x1024xi32>
    %select_n3A_174 = arith.select %lt3A_170, %broadcast_in_dim3A_173, %select_n3A_166 : vector<8x1024xi1>, vector<8x1024xi32>
    %get3A_175 = arith.constant 0 : index
    %get3A_176 = arith.constant 22528 : index
    %get3A_177 = vector.load %arg1[%get3A_175, %get3A_176] : memref<8x32768xf32, #tpu.memory_space<vmem>>, vector<8x1024xf32>
    %lt3A_178 = arith.cmpf olt, %get3A_177, %select_n3A_171 : vector<8x1024xf32>
    %select_n3A_179 = arith.select %lt3A_178, %get3A_177, %select_n3A_171 : vector<8x1024xi1>, vector<8x1024xf32>
    %jit3A_180 = arith.constant 22 : i32
    %broadcast_in_dim3A_181 = vector.broadcast %jit3A_180 : i32 to vector<8x1024xi32>
    %select_n3A_182 = arith.select %lt3A_178, %broadcast_in_dim3A_181, %select_n3A_174 : vector<8x1024xi1>, vector<8x1024xi32>
    %get3A_183 = arith.constant 0 : index
    %get3A_184 = arith.constant 23552 : index
    %get3A_185 = vector.load %arg1[%get3A_183, %get3A_184] : memref<8x32768xf32, #tpu.memory_space<vmem>>, vector<8x1024xf32>
    %lt3A_186 = arith.cmpf olt, %get3A_185, %select_n3A_179 : vector<8x1024xf32>
    %select_n3A_187 = arith.select %lt3A_186, %get3A_185, %select_n3A_179 : vector<8x1024xi1>, vector<8x1024xf32>
    %jit3A_188 = arith.constant 23 : i32
    %broadcast_in_dim3A_189 = vector.broadcast %jit3A_188 : i32 to vector<8x1024xi32>
    %select_n3A_190 = arith.select %lt3A_186, %broadcast_in_dim3A_189, %select_n3A_182 : vector<8x1024xi1>, vector<8x1024xi32>
    %get3A_191 = arith.constant 0 : index
    %get3A_192 = arith.constant 24576 : index
    %get3A_193 = vector.load %arg1[%get3A_191, %get3A_192] : memref<8x32768xf32, #tpu.memory_space<vmem>>, vector<8x1024xf32>
    %lt3A_194 = arith.cmpf olt, %get3A_193, %select_n3A_187 : vector<8x1024xf32>
    %select_n3A_195 = arith.select %lt3A_194, %get3A_193, %select_n3A_187 : vector<8x1024xi1>, vector<8x1024xf32>
    %jit3A_196 = arith.constant 24 : i32
    %broadcast_in_dim3A_197 = vector.broadcast %jit3A_196 : i32 to vector<8x1024xi32>
    %select_n3A_198 = arith.select %lt3A_194, %broadcast_in_dim3A_197, %select_n3A_190 : vector<8x1024xi1>, vector<8x1024xi32>
    %get3A_199 = arith.constant 0 : index
    %get3A_200 = arith.constant 25600 : index
    %get3A_201 = vector.load %arg1[%get3A_199, %get3A_200] : memref<8x32768xf32, #tpu.memory_space<vmem>>, vector<8x1024xf32>
    %lt3A_202 = arith.cmpf olt, %get3A_201, %select_n3A_195 : vector<8x1024xf32>
    %select_n3A_203 = arith.select %lt3A_202, %get3A_201, %select_n3A_195 : vector<8x1024xi1>, vector<8x1024xf32>
    %jit3A_204 = arith.constant 25 : i32
    %broadcast_in_dim3A_205 = vector.broadcast %jit3A_204 : i32 to vector<8x1024xi32>
    %select_n3A_206 = arith.select %lt3A_202, %broadcast_in_dim3A_205, %select_n3A_198 : vector<8x1024xi1>, vector<8x1024xi32>
    %get3A_207 = arith.constant 0 : index
    %get3A_208 = arith.constant 26624 : index
    %get3A_209 = vector.load %arg1[%get3A_207, %get3A_208] : memref<8x32768xf32, #tpu.memory_space<vmem>>, vector<8x1024xf32>
    %lt3A_210 = arith.cmpf olt, %get3A_209, %select_n3A_203 : vector<8x1024xf32>
    %select_n3A_211 = arith.select %lt3A_210, %get3A_209, %select_n3A_203 : vector<8x1024xi1>, vector<8x1024xf32>
    %jit3A_212 = arith.constant 26 : i32
    %broadcast_in_dim3A_213 = vector.broadcast %jit3A_212 : i32 to vector<8x1024xi32>
    %select_n3A_214 = arith.select %lt3A_210, %broadcast_in_dim3A_213, %select_n3A_206 : vector<8x1024xi1>, vector<8x1024xi32>
    %get3A_215 = arith.constant 0 : index
    %get3A_216 = arith.constant 27648 : index
    %get3A_217 = vector.load %arg1[%get3A_215, %get3A_216] : memref<8x32768xf32, #tpu.memory_space<vmem>>, vector<8x1024xf32>
    %lt3A_218 = arith.cmpf olt, %get3A_217, %select_n3A_211 : vector<8x1024xf32>
    %select_n3A_219 = arith.select %lt3A_218, %get3A_217, %select_n3A_211 : vector<8x1024xi1>, vector<8x1024xf32>
    %jit3A_220 = arith.constant 27 : i32
    %broadcast_in_dim3A_221 = vector.broadcast %jit3A_220 : i32 to vector<8x1024xi32>
    %select_n3A_222 = arith.select %lt3A_218, %broadcast_in_dim3A_221, %select_n3A_214 : vector<8x1024xi1>, vector<8x1024xi32>
    %get3A_223 = arith.constant 0 : index
    %get3A_224 = arith.constant 28672 : index
    %get3A_225 = vector.load %arg1[%get3A_223, %get3A_224] : memref<8x32768xf32, #tpu.memory_space<vmem>>, vector<8x1024xf32>
    %lt3A_226 = arith.cmpf olt, %get3A_225, %select_n3A_219 : vector<8x1024xf32>
    %select_n3A_227 = arith.select %lt3A_226, %get3A_225, %select_n3A_219 : vector<8x1024xi1>, vector<8x1024xf32>
    %jit3A_228 = arith.constant 28 : i32
    %broadcast_in_dim3A_229 = vector.broadcast %jit3A_228 : i32 to vector<8x1024xi32>
    %select_n3A_230 = arith.select %lt3A_226, %broadcast_in_dim3A_229, %select_n3A_222 : vector<8x1024xi1>, vector<8x1024xi32>
    %get3A_231 = arith.constant 0 : index
    %get3A_232 = arith.constant 29696 : index
    %get3A_233 = vector.load %arg1[%get3A_231, %get3A_232] : memref<8x32768xf32, #tpu.memory_space<vmem>>, vector<8x1024xf32>
    %lt3A_234 = arith.cmpf olt, %get3A_233, %select_n3A_227 : vector<8x1024xf32>
    %select_n3A_235 = arith.select %lt3A_234, %get3A_233, %select_n3A_227 : vector<8x1024xi1>, vector<8x1024xf32>
    %jit3A_236 = arith.constant 29 : i32
    %broadcast_in_dim3A_237 = vector.broadcast %jit3A_236 : i32 to vector<8x1024xi32>
    %select_n3A_238 = arith.select %lt3A_234, %broadcast_in_dim3A_237, %select_n3A_230 : vector<8x1024xi1>, vector<8x1024xi32>
    %get3A_239 = arith.constant 0 : index
    %get3A_240 = arith.constant 30720 : index
    %get3A_241 = vector.load %arg1[%get3A_239, %get3A_240] : memref<8x32768xf32, #tpu.memory_space<vmem>>, vector<8x1024xf32>
    %lt3A_242 = arith.cmpf olt, %get3A_241, %select_n3A_235 : vector<8x1024xf32>
    %select_n3A_243 = arith.select %lt3A_242, %get3A_241, %select_n3A_235 : vector<8x1024xi1>, vector<8x1024xf32>
    %jit3A_244 = arith.constant 30 : i32
    %broadcast_in_dim3A_245 = vector.broadcast %jit3A_244 : i32 to vector<8x1024xi32>
    %select_n3A_246 = arith.select %lt3A_242, %broadcast_in_dim3A_245, %select_n3A_238 : vector<8x1024xi1>, vector<8x1024xi32>
    %get3A_247 = arith.constant 0 : index
    %get3A_248 = arith.constant 31744 : index
    %get3A_249 = vector.load %arg1[%get3A_247, %get3A_248] : memref<8x32768xf32, #tpu.memory_space<vmem>>, vector<8x1024xf32>
    %lt3A_250 = arith.cmpf olt, %get3A_249, %select_n3A_243 : vector<8x1024xf32>
    %select_n3A_251 = arith.select %lt3A_250, %get3A_249, %select_n3A_243 : vector<8x1024xi1>, vector<8x1024xf32>
    %jit3A_252 = arith.constant 31 : i32
    %broadcast_in_dim3A_253 = vector.broadcast %jit3A_252 : i32 to vector<8x1024xi32>
    %select_n3A_254 = arith.select %lt3A_250, %broadcast_in_dim3A_253, %select_n3A_246 : vector<8x1024xi1>, vector<8x1024xi32>
    %reduce_min3A = arith.constant dense<0x7F800000> : vector<8xf32>
    %reduce_min3A_255 = vector.multi_reduction <minimumf>, %select_n3A_251, %reduce_min3A [1] : vector<8x1024xf32> to vector<8xf32>
    %broadcast_in_dim3A_256 = vector.shape_cast %reduce_min3A_255 : vector<8xf32> to vector<8x1xf32>
    %iota3A = tpu.iota {dimensions = array<i32: 1>} : vector<8x1024xi32>
    %mul3A = arith.constant 1024 : i32
    %mul3A_257 = vector.broadcast %mul3A : i32 to vector<8x1024xi32>
    %mul3A_258 = arith.muli %select_n3A_254, %mul3A_257 : vector<8x1024xi32>
    %add3A = arith.addi %mul3A_258, %iota3A : vector<8x1024xi32>
    %eq3A = vector.broadcast %broadcast_in_dim3A_256 : vector<8x1xf32> to vector<8x1024xf32>
    %eq3A_259 = arith.cmpf oeq, %select_n3A_251, %eq3A : vector<8x1024xf32>
    %jit3A_260 = arith.constant 2147483647 : i32
    %broadcast_in_dim3A_261 = vector.broadcast %jit3A_260 : i32 to vector<8x1024xi32>
    %select_n3A_262 = arith.select %eq3A_259, %add3A, %broadcast_in_dim3A_261 : vector<8x1024xi1>, vector<8x1024xi32>
    %reduce_min3A_263 = arith.constant dense<2147483647> : vector<8xi32>
    %reduce_min3A_264 = vector.multi_reduction <minsi>, %select_n3A_262, %reduce_min3A_263 [1] : vector<8x1024xi32> to vector<8xi32>
    %broadcast_in_dim3A_265 = vector.shape_cast %reduce_min3A_264 : vector<8xi32> to vector<8x1xi32>
    %swap3A = arith.constant 0 : index
    %swap3A_266 = arith.constant 0 : index
    %swap3A_267 = vector.load %arg2[%swap3A, %swap3A_266] : memref<8x1xi32, #tpu.memory_space<vmem>>, vector<8x1xi32>
    tpu.vector_store %arg2[%swap3A, %swap3A_266], %broadcast_in_dim3A_265 {strides = array<i32>} : memref<8x1xi32, #tpu.memory_space<vmem>>, vector<8x1xi32>,
    return
  }
  func.func @transform_0(%arg0: i32) -> (i32, i32) {
    %add3A = arith.constant 8 : i32
    %add3A_0 = arith.addi %arg0, %add3A : i32
    %c0_i32 = arith.constant 0 : i32
    %c0_i32_1 = arith.constant 0 : i32
    return %add3A_0, %c0_i32 : i32, i32
  }
  func.func @transform_1(%arg0: i32) -> (i32, i32) {
    %add3A = arith.constant 8 : i32
    %add3A_0 = arith.addi %arg0, %add3A : i32
    %c0_i32 = arith.constant 0 : i32
    %c0_i32_1 = arith.constant 0 : i32
    return %add3A_0, %c0_i32 : i32, i32
  }
}

</mosaic_0001>

<sc_bundles>
// kernel: kernel.4.cloned.1.call-start
scs
__scs_entry_jumppad:
0x0: {  	(pc) =	sbr.rel $0x88, $3  }
0x1: {  	(tag) =	ssettag $0x0;
	lr =	simm.s32 $0x1  }
0x2: {  	[smem:$0x3FA0] =	sst lr;
	_ =	strace $0xD0000000  }
0x3: {  	_ = 	snop  }
0x4: {  	_ = 	snop  }
0x5: {  	_ = 	snop  }
0x6: {  	_ = 	snop  }
0x7: {  	_ = 	snop  }
__scs_overlays_trampoline_lowered:
0x8: {  	[smem:$0x3FAF] =	sst s0  }
0x9: {  	[smem:$0x3FB0] =	sst s1  }
0xa: {  	[smem:$0x3FB1] =	sst s2  }
0xb: {  	[smem:$0x3FB2] =	sst s3  }
0xc: {  	[smem:$0x3FB3] =	sst s4  }
0xd: {  	[smem:$0x3FB4] =	sst s5  }
0xe: {  	[smem:$0x3FB5] =	sst s6  }
0xf: {  	[smem:$0x3FB6] =	sst s7  }
0x10: {  	[smem:$0x3FB7] =	sst s8  }
0x11: {  	[smem:$0x3FB8] =	sst s9;
	s0 =	simm.s32 @!p0 $0x0  }
0x12: {  	s1 =	sld [smem:$0x3F9E];
	s0 =	simm.s32 @p0 $0x1  }
0x13: {  	[smem:$0x3FB9] =	sst s0;
	s0 =	simm.s32 @!p1 $0x0  }
0x14: {  	s2 =	sld [smem:$0x3F9D];
	s0 =	simm.s32 @p1 $0x1  }
0x15: {  	[smem:$0x3FBA] =	sst s0;
	s0 =	simm.s32 @!p2 $0x0  }
0x16: {  	s3 =	sld [smem:$0x3FDB];
	s0 =	simm.s32 @p2 $0x1  }
0x17: {  	s4 =	simm.s32 $0x1BF5;
	[smem:$0x3FBC] =	sst s0  }
0x18: {  	s0 =	sld [smem:$0x3F9F];
	_ =	swait.ge [sflag:s4], $0x0  }
0x19: {  	s7 =	sld [smem:$0x3FA0]  }
0x1a: {  	s8 =	sadd.s32 $0xFFFFE003, lr  }
0x1b: {  	s9 =	sadd.s32 $0xFFFFFEF7, lr;
	s5 =	simm.s32 $0xFFFFFFFF;
	p2 =	slt.u32 s8, $0xFFFFF086  }
0x1c: {  	p1 =	slt.u32 s9, $0xF7A;
	s5 =	simm.s32 @!p2 $0x0  }
0x1d: {  	s5 =	simm.s32 @p1 $0x1;
	p0 =	seq.s32 s7, s2  }
0x1e: {  	s7 =	smul.u32 @!p0 $0xF7A, s2;
	p2 =	seq.s32 @!p0 s5, $0x0  }
0x1f: {  	s9 =	smul.u32 $0xF7A, s1;
	s8 =	simm.s32 @!p0 $0x1BF5;
	p2 =	por !p2, p0  }
0x20: {  	[sflag:s8] =	ssyncset.s32 @!p0 $0xFFFFF086;
	s6 =	sadd.s32 @!p0 s3, s7;
	s7 =	simm.s32 @!p0 $0x108  }
0x21: {  	s3 =	sadd.s32 s3, s9;
	s6 =	sadd.s32 @!p0 $0x88, s6;
	s7 =	simm.s32 @p2 $0x1082  }
0x22: {  	[simem:s7], [sflag:s8] =	dma.local @!p0 [hbm:s6], $0xF7A  }
0x23: {  	s9 =	sor.u32 $0xD0000000, s2;
	s6 =	simm.s32 $0x108;
	_ =	swait.ge @!p0 [sflag:s8], $0x0  }
0x24: {  	s3 =	sadd.s32 $0x88, s3;
	s6 =	simm.s32 @!p1 $0x1082;
	[sflag:s4] =	ssyncset.s32 $0xFFFFF086  }
0x25: {  	[simem:s6], [sflag:s4] =	dma.local [hbm:s3], $0xF7A  }
0x26: {  	[smem:$0x3FA0] =	sst s1;
	(tag) =	ssettag s2;
	_ =	strace s9  }
0x27: {  	s1 =	sld [smem:$0x3FB0]  }
0x28: {  	s2 =	sld [smem:$0x3FB1]  }
0x29: {  	s4 =	sld [smem:$0x3FB3]  }
0x2a: {  	p0 =	seq.s32 s5, $0x0;
	s5 =	sld [smem:$0x3FB4]  }
0x2b: {  	s6 =	sld [smem:$0x3FB5]  }
0x2c: {  	s7 =	sld [smem:$0x3FB6]  }
0x2d: {  	s3 =	simm.s32 $0x108;
	s8 =	sld [smem:$0x3FB7]  }
0x2e: {  	s3 =	simm.s32 @!p0 $0x1082;
	s9 =	sld [smem:$0x3FB8]  }
0x2f: {  	lr =	sadd.s32 s0, s3;
	s0 =	sld [smem:$0x3FAF]  }
0x30: {  	s3 =	sld [smem:$0x3FB2]  }
0x31: {  	[smem:$0x3FBB] =	sst s10  }
0x32: {  	s10 =	sld [smem:$0x3FB9];
	_ =	sdelay $0x3  }
0x33: {  	p0 =	seq.s32 s10, $0x1;
	s10 =	sld [smem:$0x3FBB];
	_ =	sdelay $0x3  }
0x34: {  	[smem:$0x3FBB] =	sst s10  }
0x35: {  	s10 =	sld [smem:$0x3FBA];
	_ =	sdelay $0x3  }
0x36: {  	p1 =	seq.s32 s10, $0x1;
	s10 =	sld [smem:$0x3FBB];
	_ =	sdelay $0x3  }
0x37: {  	[smem:$0x3FBB] =	sst s10  }
0x38: {  	s10 =	sld [smem:$0x3FBC]  }
0x39: {  	_ = 	snop;
	(pc) =	sbr.ind lr, $3  }
0x3a: {  	_ = 	snop  }
0x3b: {  	_ = 	snop  }
0x3c: {  	p2 =	seq.s32 s10, $0x1;
	s10 =	sld [smem:$0x3FBB]  }
0x3d: {  	_ =	shalt  }
0x3e: {  	_ =	shalt  }
0x3f: {  	_ =	shalt  }
0x40: {  	_ =	shalt  }
0x41: {  	_ =	shalt  }
0x42: {  	_ =	shalt  }
0x43: {  	_ =	shalt  }
0x44: {  	_ =	shalt  }
0x45: {  	_ =	shalt  }
0x46: {  	_ =	shalt  }
0x47: {  	_ =	shalt  }
0x48: {  	_ =	shalt  }
0x49: {  	_ =	shalt  }
0x4a: {  	_ =	shalt  }
0x4b: {  	_ =	shalt  }
0x4c: {  	_ =	shalt  }
0x4d: {  	_ =	shalt  }
0x4e: {  	_ =	shalt  }
0x4f: {  	_ =	shalt  }
0x50: {  	_ =	shalt  }
0x51: {  	_ =	shalt  }
0x52: {  	_ =	shalt  }
0x53: {  	_ =	shalt  }
0x54: {  	_ =	shalt  }
0x55: {  	_ =	shalt  }
0x56: {  	_ =	shalt  }
0x57: {  	_ =	shalt  }
0x58: {  	_ =	shalt  }
0x59: {  	_ =	shalt  }
0x5a: {  	_ =	shalt  }
0x5b: {  	_ =	shalt  }
0x5c: {  	_ =	shalt  }
0x5d: {  	_ =	shalt  }
0x5e: {  	_ =	shalt  }
0x5f: {  	_ =	shalt  }
0x60: {  	_ =	shalt  }
0x61: {  	_ =	shalt  }
0x62: {  	_ =	shalt  }
0x63: {  	_ =	shalt  }
0x64: {  	_ =	shalt  }
0x65: {  	_ =	shalt  }
0x66: {  	_ =	shalt  }
0x67: {  	_ =	shalt  }
0x68: {  	_ =	shalt  }
0x69: {  	_ =	shalt  }
0x6a: {  	_ =	shalt  }
0x6b: {  	_ =	shalt  }
0x6c: {  	_ =	shalt  }
0x6d: {  	_ =	shalt  }
0x6e: {  	_ =	shalt  }
0x6f: {  	_ =	shalt  }
0x70: {  	_ =	shalt  }
0x71: {  	_ =	shalt  }
0x72: {  	_ =	shalt  }
0x73: {  	_ =	shalt  }
0x74: {  	_ =	shalt  }
0x75: {  	_ =	shalt  }
0x76: {  	_ =	shalt  }
0x77: {  	_ =	shalt  }
0x78: {  	_ =	shalt  }
0x79: {  	_ =	shalt  }
0x7a: {  	_ =	shalt  }
0x7b: {  	_ =	shalt  }
0x7c: {  	_ =	shalt  }
0x7d: {  	_ =	shalt  }
0x7e: {  	_ =	shalt  }
0x7f: {  	_ =	shalt  }
0x80: {  	_ =	shalt  }
0x81: {  	_ =	shalt  }
0x82: {  	_ =	shalt  }
0x83: {  	_ =	shalt  }
0x84: {  	_ =	shalt  }
0x85: {  	_ =	shalt  }
0x86: {  	_ =	shalt  }
0x87: {  	_ =	shalt  }
.Lfunc_end0:
.L_simem_size_0:
called_computation_lowered:
.L_overlay_start_0:
0x88: {  	s2 =	sld [smem:$0x3FD9]  }
0x89: {  	s3 =	sld [smem:$0x3FFE];
	_ =	sdelay $0x1  }
0x8a: {  	s1 =	srdreg.scid  }
0x8b: {  	s0 =	sand.u32 $0x1, s1  }
0x8c: {  	s17 =	sshll.u32 s0, $0xA;
	s2 =	sadd.s32 s3, s2  }
0x8d: {  	s2 =	sadd.s32 s2, s17  }
0x8e: {  	[smem:$0x3FC7] =	sst s2  }
0x8f: {  	_ = 	snop  }
0x90: {  	s2 =	sld [smem:$0x3FC9];
	(tm) =	ssettm $0x1  }
0x91: {  	s18 =	sld [smem:$0x3FFB];
	_ =	sdelay $0x3  }
0x92: {  	_ =	strace s18  }
0x93: {  	s3 =	sld [smem:$0x3FFC];
	_ =	sdelay $0x3  }
0x94: {  	_ =	strace s3  }
0x95: {  	s3 =	sld [smem:$0x3FFD];
	_ =	sdelay $0x3  }
0x96: {  	_ =	strace s3  }
0x97: {  	_ =	strace $0x8FFFFFFF  }
0x98: {  	s19 =	sld [smem:$0x3FDB];
	_ =	sdelay $0x1  }
0x99: {  	s4 =	simm.s32 $_scs_section_size  }
0x9a: {  	s5 =	simm.s32 $_size__tile_overlayer_lowered;
	s6 =	simm.s32 $_tile_overlayer_lowered  }
0x9b: {  	s22 =	simm.s32 $0x1BFF;
	s21 =	sshll.u32 s6, $0x1;
	s3 =	sadd.s32 s4, s19  }
0x9c: {  	s7 =	simm.s32 $0x0;
	s20 =	sshll.u32 s5, $0x1;
	s5 =	sadd.s32 s21, s3  }
0x9d: {  	[timem:s7], [sflag:s22] =	dma.local [hbm:s5], s20  }
0x9e: {  	_ =	swait.ge [sflag:s22], s20  }
0x9f: {  	s4 =	ssub.s32 $0x0, s20;
	[sflag:s22] =	ssyncset.done $0x0  }
0xa0: {  	[sflag:s22] =	ssyncadd.s32 s4;
	_ =	sdelay $0x1  }
0xa1: {  	s23 =	simm.s32 $0x1B8B  }
0xa2: {  	_ =	swait.ge [sflag:s23], $0x1  }
0xa3: {  	[sflag:s23] =	ssyncset.done $0x0  }
0xa4: {  	s25 =	simm.s32 $0x1B8E;
	s24 =	sld [smem:$0x3FFE];
	[sflag:s23] =	ssyncadd.s32 $0xFFFFFFFF  }
0xa5: {  	s26 =	simm.s32 $execute0_lowered;
	[smem:$0x3FD2] =	sst s25  }
0xa6: {  	s5 =	sshll.u32 s26, $0x1;
	_ =	strace $0x80000046;
	[dreg:$0x1] =	wrdreg $0xFFFFFFFF  }
0xa7: {  	s28 =	simm.s32 $_size_execute0_lowered;
	s3 =	sadd.s32 s3, s5;
	[dreg:$0x0] =	wrdreg $0x0  }
0xa8: {  	s5 =	sshll.u32 s28, $0x1;
	[dreg:$0x2] =	wrdreg s3  }
0xa9: {  	[dreg:$0x3] =	wrdreg s5  }
0xaa: {  	[dreg:$0x4] =	wrdreg $0xC0  }
0xab: {  	_ =	task [dreg:s7], $0x5FFFF  }
0xac: {  	[dreg:$0x1] =	wrdreg $0xFFFFFFFF  }
0xad: {  	[dreg:$0x0] =	wrdreg $0x60  }
0xae: {  	[dreg:$0x2] =	wrdreg s2  }
0xaf: {  	[dreg:$0x3] =	wrdreg s24  }
0xb0: {  	[dreg:$0x4] =	wrdreg $0x9  }
0xb1: {  	_ =	task.clear_ibuf [dreg:s7], $0x5FFFF;
	_ =	strace $0x90000046  }
0xb2: {  	s29 =	simm.s32 $0x9;
	_ =	strace $0x80000048  }
0xb3: {  	_ =	swait.ge [sflag:s29], $0x1  }
0xb4: {  	[sflag:s29] =	ssyncadd.s32 $0xFFFFFFFF  }
0xb5: {  	_ =	strace $0x90000048  }
0xb6: {  	_ =	sfence  }
0xb7: {  	s30 =	sld [smem:$0x0];
	_ =	sdelay $0x2  }
0xb8: {  	s31 =	sshll.u32 s1, $0xD;
	s1 =	sshrl.u32 s1, $0x2  }
0xb9: {  	s3 =	sand.u32 $0x4000, s31;
	s1 =	sadd.s32 s1, s30  }
0xba: {  	s0 =	sor.u32 s3, s0;
	s1 =	sshll.u32 s1, $0x11  }
0xbb: {  	s0 =	sor.u32 s1, s0  }
0xbc: {  	s0 =	sadd.s32 $0x8F2B, s0  }
0xbd: {  	[sflag:s0] =	ssyncadd.remote.s32 $0x1  }
0xbe: {  	_ =	sfence.sel $0xFFFF  }
0xbf: {  	[dreg:$0x0] =	wrdreg $0xFFFFFFFF;
	(pc) =	sbr.abs _section_cstart, $3  }
0xc0: {  	[dreg:$0x1] =	wrdreg $0xFFFFFFFF  }
0xc1: {  	_ =	task.clear_ibuf [dreg:s7], $0x2FFFF;
	_ =	strace $0x9FFFFFFF  }
0xc2: {  	(tm) =	ssettm $0x7FFFFFFF  }
0xc3: {  	_ =	shalt  }
tec
execute0_lowered:
.L_overlay_start_1:
0x0: {  	(tag) =	ssettag $0x1  }
0x1: {  	v0 =	vimm.s32 $0xFEDCBA98;
	s0 =	srdreg.scid;
	s3 =	rddreg [dreg:$0x0];
	v1 =	vimm.s32 $0x76543210;
	v2 =	vimm.s32 $0xBA98FEDC  }
0x2: {  	s5 =	rddreg [dreg:$0x1];
	s1 =	simm.s32 $0x0;
	v3 =	vimm.s32 $0x32107654;
	v4 =	vimm.s32 $0xDCFE98BA;
	v5 =	vimm.s32 $0x54761032;
	s10 =	simm.s32 $0x2  }
0x3: {  	v6 =	vimm.s32 $0xEFCDAB89;
	v7 =	vimm.s32 $0x67452301;
	s11 =	simm.s32 $0x10000;
	s12 =	simm.s32 $0x3;
	s13 =	simm.s32 $0x0  }
0x4: {  	v0 =	vunpack.c.l.s4.s8 v0;
	s4 =	sand.u32 $0x1, s0;
	s0 =	stileid.u32;
	v1 =	vunpack.c.l.s4.s8 v1;
	[smem:$0x7FF] =	sst s1;
	v2 =	vunpack.c.l.s4.s8 v2  }
0x5: {  	v3 =	vunpack.c.l.s4.s8 v3;
	v4 =	vunpack.c.l.s4.s8 v4;
	v5 =	vunpack.c.l.s4.s8 v5;
	s2 =	sshll.u32 s4, $0x4;
	s6 =	sshll.u32 s0, $0x4;
	s9 =	sshll.u32 s0, $0x5  }
0x6: {  	v6 =	vunpack.c.l.s4.s8 v6;
	v7 =	vunpack.c.l.s4.s8 v7;
	s4 =	ssub.s32 $0x2, s4;
	v0 =	vunpack.c.0.s8.s32 v0;
	s7 =	sor.u32 s0, s2;
	s6 =	sand.u32 $0x70, s6  }
0x7: {  	s2 =	rddreg [dreg:$0x2];
	_ =	strace $0x80000047;
	v2 =	vunpack.c.0.s8.s32 v2;
	v3 =	vunpack.c.0.s8.s32 v3;
	v4 =	vunpack.c.0.s8.s32 v4;
	s29 =	sshrl.u32 s4, $0x1  }
0x8: {  	v5 =	vunpack.c.0.s8.s32 v5;
	v6 =	vunpack.c.0.s8.s32 v6;
	v7 =	vunpack.c.0.s8.s32 v7;
	s8 =	sshll.u32 s7, $0xD;
	s5 =	sadd.s32 s6, s5;
	s7 =	sshll.u32 s7, $0x4  }
0x9: {  	v1 =	vunpack.c.0.s8.s32 v1;
	s31 =	ssub.s32 s4, s29;
	s28 =	sor.u32 s9, s8;
	s30 =	sand.u32 $0x180, s7;
	v2 =	vcombine.low v3, v2  }
0xa: {  	v3 =	vcombine.low v5, v4;
	s7 =	simm.s32 $0x1;
	v4 =	vand.u32 $0xF, v0;
	v5 =	vcombine.low v7, v6;
	s8 =	simm.s32 $0x10080;
	s6 =	sand.u32 $0x38060, s28  }
0xb: {  	v0 =	vlaneseq.u32;
	s9 =	simm.s32 $0x10100;
	s5 =	sadd.s32 s30, s5;
	v1 =	vcombine.low v4, v1;
	s3 =	sadd.s32 s3, s6  }
0xc: {  	s5 =	sadd.s32 $0x600, s5;
	s6 =	smax.u32 s31, $0x1;
	v2 =	vand.u32 $0xF, v2;
	v3 =	vand.u32 $0xF, v3;
	v4 =	vand.u32 $0xF, v5;
	s4 =	sadd.s32 $0x10, s3  }
.LBB2_1:
0xd: {  	s14 =	simm.s32 $0x80  }
0xe: {  	s17 =	sadd.s32 $0x0, s3;
	s15 =	simm.s32 $0x100;
	s16 =	simm.s32 $0x0  }
.LBB2_2:
0xf: {  	[tilespmem:s16], [sflag:$0x1] =	stream.linear.gather [hbm4b:s17+s1], $0x80, $0x38;
	[tilespmem:$0x10180] =	vst v63  }
0x10: {  	s17 =	smov.u32 s14;
	s16 =	smov.u32 s15;
	p0 =	sne.s32 s14, $0x7F80  }
.Ltmp0:
0x11: {  	s14 =	sadd.s32 $0x80, s14;
	(pc) =	sbr.rel @p0 .LBB2_2-.Ltmp0, $2  }
0x12: {  	_ =	sdelay $0x2  }
0x13: {  	s15 =	sadd.s32 $0x100, s15;
	s17 =	sadd.s32 s17, s3  }
0x14: {  	[tilespmem:s16], [sflag:$0x1] =	stream.linear.gather [hbm4b:s17+s1], $0x80, $0x38;
	[tilespmem:$0x10180] =	vst v63  }
0x15: {  	s14 =	simm.s32 $0x80  }
0x16: {  	s15 =	simm.s32 $0x80;
	s17 =	sadd.s32 $0x0, s4;
	s16 =	simm.s32 $0x180  }
.LBB2_4:
0x17: {  	[tilespmem:s14], [sflag:$0x2] =	stream.linear.gather [hbm4b:s17+s1], $0x80, $0x38;
	[tilespmem:$0x10180] =	vst v63  }
0x18: {  	s17 =	smov.u32 s15;
	s14 =	smov.u32 s16;
	p0 =	sne.s32 s15, $0x7F80  }
.Ltmp1:
0x19: {  	s15 =	sadd.s32 $0x80, s15;
	(pc) =	sbr.rel @p0 .LBB2_4-.Ltmp1, $2  }
0x1a: {  	_ =	sdelay $0x2  }
0x1b: {  	s16 =	sadd.s32 $0x100, s16;
	s17 =	sadd.s32 s17, s4  }
0x1c: {  	[tilespmem:s14], [sflag:$0x2] =	stream.linear.gather [hbm4b:s17+s1], $0x80, $0x38;
	[tilespmem:$0x10180] =	vst v63  }
0x1d: {  	_ =	swait.ge [sflag:s7], $0x8000  }
0x1e: {  	[sflag:s7] =	ssyncset.done $0x0  }
0x1f: {  	s14 =	simm.s32 $0x200;
	[sflag:s7] =	ssyncadd.s32 $0xFFFF8000  }
0x20: {  	v9 =	vld [tilespmem:s14+$0x100]  }
0x21: {  	v10 =	vld [tilespmem:s14+$0x110]  }
0x22: {  	v6 =	vld [tilespmem:s14+$0x120]  }
0x23: {  	v7 =	vld [tilespmem:s14+$0x130]  }
0x24: {  	v8 =	vld [tilespmem:s14+$0x140]  }
0x25: {  	v12 =	vld [tilespmem:s14+$0xFFFFFE00]  }
0x26: {  	v14 =	vld [tilespmem:s14+$0xFFFFFE10]  }
0x27: {  	v21 =	vld [tilespmem:s14+$0xFFFFFE20]  }
0x28: {  	v15 =	vld [tilespmem:s14+$0xFFFFFF00]  }
0x29: {  	v16 =	vld [tilespmem:s14+$0xFFFFFF10]  }
0x2a: {  	v17 =	vld [tilespmem:s14+$0x0]  }
0x2b: {  	v13 =	vimm.f32 $+Inf;
	v11 =	vimm.s32 $0x0;
	v18 =	vld [tilespmem:s14+$0x10]  }
0x2c: {  	s17 =	simm.s32 $0x0;
	v25 =	vld [tilespmem:s14+$0xFFFFFE30];
	vm0 =	vlt.f32 v12, v13;
	vm1 =	vlt.f32 v14, v13;
	vm3 =	vlt.f32 v21, v13  }
0x2d: {  	v5 =	vld [tilespmem:s14+$0x150];
	v12 =	vsel vm0, v12, v13;
	v14 =	vsel vm1, v14, v13;
	v20 =	vsel vm1, s17, v11  }
0x2e: {  	s18 =	simm.s32 $0x1;
	v19 =	vld [tilespmem:s14+$0xFFFFFF20];
	v22 =	vsel vm0, s17, v11;
	vm1 =	vlt.f32 v15, v12;
	vm0 =	vlt.f32 v16, v14  }
0x2f: {  	v27 =	vld [tilespmem:s14+$0xFFFFFF40];
	v12 =	vsel vm1, v15, v12;
	v14 =	vsel vm0, v16, v14;
	v16 =	vsel vm0, s18, v20  }
0x30: {  	v15 =	vld [tilespmem:s14+$0xFFFFFE40];
	v20 =	vsel vm1, s18, v22;
	vm0 =	vlt.f32 v17, v12;
	vm1 =	vlt.f32 v18, v14  }
0x31: {  	s15 =	simm.s32 $0x2;
	vm4 =	vlt.f32 v25, v13;
	v22 =	vld [tilespmem:s14+$0xFFFFFF30];
	v17 =	vsel vm0, v17, v12;
	v14 =	vsel vm1, v18, v14  }
0x32: {  	v23 =	vld [tilespmem:s14+$0x20];
	v16 =	vsel vm1, s15, v16;
	v12 =	vsel vm0, s15, v20;
	v20 =	vimm.f32 $+Inf  }
0x33: {  	s16 =	simm.s32 $0x3;
	v24 =	vld [tilespmem:s14+$0x30];
	v18 =	vimm.s32 $0x0;
	vm7 =	vlt.f32 v9, v17;
	vm0 =	vlt.f32 v10, v14  }
0x34: {  	v28 =	vld [tilespmem:s14+$0x40];
	v9 =	vsel vm7, v9, v17;
	v10 =	vsel vm0, v10, v14;
	v14 =	vsel vm0, s16, v16  }
0x35: {  	v29 =	vld [tilespmem:s14+$0xFFFFFF50];
	v16 =	vsel vm3, v21, v13;
	v17 =	vsel vm4, v25, v13;
	vm2 =	vlt.f32 v15, v13  }
0x36: {  	v30 =	vld [tilespmem:s14+$0xFFFFFE50];
	vm5 =	vlt.f32 v19, v16;
	vm6 =	vlt.f32 v22, v17;
	v15 =	vsel vm2, v15, v13  }
0x37: {  	v31 =	vld [tilespmem:s14+$0xFFFFFE60];
	v25 =	vsel vm5, v19, v16;
	v26 =	vsel vm6, v22, v17;
	v22 =	vimm.f32 $+Inf  }
0x38: {  	v32 =	vld [tilespmem:s14+$0xFFFFFE70];
	v19 =	vimm.s32 $0x0;
	v17 =	vimm.s32 $0x0;
	vm8 =	vlt.f32 v27, v15  }
0x39: {  	s19 =	simm.s32 $0x4;
	v21 =	vld [tilespmem:s14+$0x50];
	v16 =	vimm.s32 $0x0;
	v27 =	vsel vm8, v27, v15;
	v15 =	vimm.s32 $0x0  }
.LBB2_6:
0x3a: {  	v33 =	vimm.s32 $0x0;
	v47 =	vimm.s32 $0x0;
	v48 =	vimm.s32 $0x0  }
0x3b: {  	v34 =	vimm.s32 $0x0;
	v50 =	vimm.s32 $0x0;
	vm0 =	vlt.f32 v23, v25  }
0x3c: {  	v51 =	vimm.s32 $0x0;
	vm1 =	vlt.f32 v24, v26;
	v23 =	vsel vm0, v23, v25  }
0x3d: {  	v34 =	vsel vm0, $0xFFFFFFFF, v34;
	v25 =	vimm.s32 $0x0;
	vm0 =	vlt.f32 v6, v23  }
0x3e: {  	vm9 =	vlt.f32 v28, v27;
	v24 =	vsel vm1, v24, v26;
	[tilespmem:$0x1FF90] =	vst v34;
	v25 =	vsel vm0, $0xFFFFFFFF, v25  }
0x3f: {  	v49 =	vld [tilespmem:s14+$0xFFFFFF60];
	v34 =	vsel vm1, $0xFFFFFFFF, v50;
	vm1 =	vlt.f32 v7, v24;
	[tilespmem:$0x1FFC0] =	vst v25;
	v25 =	vimm.s32 $0x0  }
0x40: {  	v33 =	vsel vm6, $0xFFFFFFFF, v33;
	v27 =	vsel vm9, v28, v27;
	[tilespmem:$0x1FFA0] =	vst v34;
	v25 =	vsel vm1, $0xFFFFFFFF, v25  }
0x41: {  	v28 =	vld [tilespmem:s14+$0x60];
	v34 =	vsel vm9, $0xFFFFFFFF, v51;
	vm9 =	vlt.f32 v8, v27;
	[tilespmem:$0x1FFD0] =	vst v25;
	v25 =	vimm.s32 $0x0  }
0x42: {  	[tilespmem:$0x1FF70] =	vst v33;
	v33 =	vsel vm8, $0xFFFFFFFF, v47;
	vm14 =	vlt.f32 v31, v20;
	v25 =	vsel vm9, $0xFFFFFFFF, v25  }
0x43: {  	v26 =	vsel vm1, v7, v24;
	v7 =	vsel vm14, v31, v20;
	[tilespmem:$0x1FFE0] =	vst v25;
	v25 =	vsel vm0, v6, v23;
	v23 =	vld [tilespmem:s14+$0x160]  }
0x44: {  	v52 =	vld [tilespmem:s14+$0xFFFFFF70];
	[tilespmem:$0x1FF80] =	vst v33;
	v33 =	vsel vm7, $0xFFFFFFFF, v48;
	vm1 =	vlt.f32 v49, v7  }
0x45: {  	v35 =	vld [tilespmem:s14+$0x70];
	[tilespmem:$0x1FFF0] =	vst v33;
	v20 =	vsel vm1, v49, v7  }
0x46: {  	v36 =	vld [tilespmem:$0x1FFF0];
	v27 =	vsel vm9, v8, v27;
	vm9 =	vlt.f32 v28, v20  }
0x47: {  	vm15 =	vlt.f32 v32, v22;
	v24 =	vld [tilespmem:$0x1FF90];
	v20 =	vsel vm9, v28, v20  }
0x48: {  	v8 =	vsel vm15, v32, v22;
	v22 =	vld [tilespmem:s14+$0x170];
	vm12 =	vlt.f32 v23, v20  }
0x49: {  	v20 =	vsel vm12, v23, v20;
	v23 =	vld [tilespmem:$0x1FF70]  }
0x4a: {  	v56 =	vld [tilespmem:$0x1FFC0]  }
0x4b: {  	vm13 =	vlt.f32 v30, v13;
	v57 =	vld [tilespmem:$0x1FFD0];
	s14 =	sadd.s32 $0x400, s14  }
0x4c: {  	v6 =	vsel vm13, v30, v13;
	v30 =	vld [tilespmem:s14+$0x100]  }
0x4d: {  	v11 =	vsel vm13, s17, v11;
	vm0 =	vlt.f32 v29, v6;
	v31 =	vld [tilespmem:s14+$0x110]  }
0x4e: {  	v13 =	vsel vm0, v29, v6;
	v11 =	vsel vm0, s18, v11;
	vm0 =	vnez.u8 v23;
	v23 =	vld [tilespmem:$0x1FF80]  }
0x4f: {  	v7 =	vld [tilespmem:s14+$0x130]  }
0x50: {  	v17 =	vsel vm3, s17, v17;
	vm6 =	vmmov vm5;
	vm5 =	vmmov vm2;
	v28 =	vld [tilespmem:s14+$0x10]  }
0x51: {  	v16 =	vsel vm4, s17, v16;
	v15 =	vsel vm5, s17, v15;
	v17 =	vsel vm6, s18, v17;
	v53 =	vld [tilespmem:s14+$0xFFFFFE10]  }
0x52: {  	v19 =	vsel vm14, s17, v19;
	v18 =	vsel vm15, s17, v18;
	vm7 =	vlt.f32 v52, v8;
	v54 =	vld [tilespmem:s14+$0xFFFFFF00]  }
0x53: {  	v8 =	vsel vm7, v52, v8;
	v55 =	vld [tilespmem:s14+$0xFFFFFF10];
	v16 =	vsel vm0, s18, v16;
	vm0 =	vnez.u8 v23  }
0x54: {  	v19 =	vsel vm1, s18, v19;
	v15 =	vsel vm0, s18, v15;
	vm0 =	vnez.u8 v24;
	v24 =	vld [tilespmem:$0x1FFA0]  }
0x55: {  	v18 =	vsel vm7, s18, v18;
	vm10 =	vlt.f32 v35, v8;
	v60 =	vld [tilespmem:s14+$0xFFFFFE20];
	vm8 =	vlt.f32 v21, v13  }
0x56: {  	v19 =	vsel vm9, s15, v19;
	v61 =	vld [tilespmem:s14+$0xFFFFFE30];
	v13 =	vsel vm8, v21, v13;
	v21 =	vsel vm10, v35, v8  }
0x57: {  	v18 =	vsel vm10, s15, v18;
	v58 =	vld [tilespmem:$0x1FFE0];
	vm11 =	vlt.f32 v5, v13;
	vm2 =	vlt.f32 v22, v21  }
0x58: {  	[tilespmem:$0x1FFB0] =	vst v34;
	v37 =	vld [tilespmem:s14+$0xFFFFFE40];
	v11 =	vsel vm8, s15, v11;
	v13 =	vsel vm11, v5, v13;
	v22 =	vsel vm2, v22, v21  }
0x59: {  	v11 =	vsel vm11, s16, v11;
	v17 =	vsel vm0, s15, v17;
	vm0 =	vnez.u8 v24;
	v24 =	vld [tilespmem:$0x1FFB0]  }
0x5a: {  	v59 =	vld [tilespmem:s14+$0xFFFFFF20];
	v19 =	vsel vm12, s16, v19;
	v18 =	vsel vm2, s16, v18;
	vm1 =	vlt.f32 v53, v10  }
0x5b: {  	v62 =	vld [tilespmem:s14+$0xFFFFFF30];
	vm2 =	vnez.u8 v36;
	vm3 =	vlt.f32 v60, v25;
	vm4 =	vlt.f32 v61, v26  }
0x5c: {  	v63 =	vld [tilespmem:s14+$0xFFFFFF40];
	v12 =	vsel vm2, s16, v12;
	v10 =	vsel vm1, v53, v10;
	v14 =	vsel vm1, s19, v14  }
0x5d: {  	v29 =	vld [tilespmem:s14+$0xFFFFFE00];
	vm2 =	vlt.f32 v37, v27;
	v25 =	vsel vm3, v60, v25;
	v26 =	vsel vm4, v61, v26  }
0x5e: {  	v32 =	vld [tilespmem:s14+$0xFFFFFE70];
	vm1 =	vlt.f32 v55, v10;
	v16 =	vsel vm0, s15, v16;
	vm0 =	vnez.u8 v24  }
0x5f: {  	v6 =	vld [tilespmem:s14+$0x120];
	v27 =	vsel vm2, v37, v27;
	v15 =	vsel vm0, s15, v15;
	vm0 =	vnez.u8 v56  }
0x60: {  	v8 =	vld [tilespmem:s14+$0x140];
	vm5 =	vlt.f32 v59, v25;
	v17 =	vsel vm0, s16, v17;
	vm0 =	vnez.u8 v57  }
0x61: {  	v21 =	vld [tilespmem:s14+$0x0];
	vm6 =	vlt.f32 v62, v26;
	v16 =	vsel vm0, s16, v16;
	vm0 =	vnez.u8 v58  }
0x62: {  	v5 =	vld [tilespmem:s14+$0x150];
	v10 =	vsel vm1, v55, v10;
	s18 =	sadd.s32 $0x1, s19;
	v15 =	vsel vm0, s16, v15;
	vm0 =	vlt.f32 v29, v9  }
0x63: {  	v23 =	vld [tilespmem:s14+$0x20];
	v14 =	vsel vm1, s18, v14;
	vm1 =	vlt.f32 v28, v10;
	v9 =	vsel vm0, v29, v9  }
0x64: {  	p0 =	slt.u32 s19, $0xFC;
	v10 =	vsel vm1, v28, v10;
	v28 =	vld [tilespmem:s14+$0x40];
	v12 =	vsel vm0, s19, v12;
	vm0 =	vlt.f32 v54, v9  }
.Ltmp2:
0x65: {  	vm8 =	vlt.f32 v63, v27;
	v25 =	vsel vm5, v59, v25;
	v24 =	vld [tilespmem:s14+$0x30];
	v9 =	vsel vm0, v54, v9;
	(pc) =	sbr.rel @p0 .LBB2_6-.Ltmp2, $4  }
0x66: {  	v26 =	vsel vm6, v62, v26;
	s15 =	sadd.s32 $0x2, s19;
	v29 =	vld [tilespmem:s14+$0xFFFFFF50];
	v12 =	vsel vm0, s18, v12;
	vm0 =	vlt.f32 v21, v9  }
0x67: {  	v9 =	vsel vm0, v21, v9;
	v12 =	vsel vm0, s15, v12;
	vm0 =	vlt.f32 v31, v10;
	v21 =	vld [tilespmem:s14+$0x50]  }
0x68: {  	v14 =	vsel vm1, s15, v14;
	s16 =	sadd.s32 $0x3, s19;
	vm7 =	vlt.f32 v30, v9;
	v10 =	vsel vm0, v31, v10;
	v31 =	vld [tilespmem:s14+$0xFFFFFE60]  }
0x69: {  	s17 =	smov.u32 s19;
	v27 =	vsel vm8, v63, v27;
	s19 =	sadd.s32 $0x4, s19;
	v14 =	vsel vm0, s16, v14;
	v9 =	vsel vm7, v30, v9;
	v30 =	vld [tilespmem:s14+$0xFFFFFE50]  }
0x6a: {  	_ = 	snop  }
0x6b: {  	v17 =	vsel vm3, s17, v17;
	v16 =	vsel vm4, s17, v16;
	v15 =	vsel vm2, s17, v15  }
0x6c: {  	v33 =	vld [tilespmem:s14+$0xFFFFFF60];
	vm3 =	vlt.f32 v28, v27;
	v12 =	vsel vm7, s16, v12;
	v17 =	vsel vm5, s18, v17  }
0x6d: {  	v34 =	vld [tilespmem:s14+$0xFFFFFF70];
	v16 =	vsel vm6, s18, v16;
	v12 =	vshll.u32 v12, $0x7;
	vm1 =	vlt.f32 v31, v20  }
0x6e: {  	v12 =	vor.u32 v0, v12;
	vm0 =	vlt.f32 v30, v13;
	v20 =	vsel vm1, v31, v20  }
0x6f: {  	v13 =	vsel vm0, v30, v13;
	v11 =	vsel vm0, s17, v11;
	vm0 =	vlt.f32 v32, v22  }
0x70: {  	v19 =	vsel vm1, s17, v19;
	v22 =	vsel vm0, v32, v22;
	vm1 =	vlt.f32 v29, v13  }
0x71: {  	v18 =	vsel vm0, s17, v18;
	vm0 =	vlt.f32 v33, v20;
	v13 =	vsel vm1, v29, v13  }
0x72: {  	v11 =	vsel vm1, s18, v11;
	vm1 =	vlt.f32 v34, v22;
	v20 =	vsel vm0, v33, v20  }
0x73: {  	v19 =	vsel vm0, s18, v19;
	vm0 =	vlt.f32 v23, v25;
	v22 =	vsel vm1, v34, v22  }
0x74: {  	v18 =	vsel vm1, s18, v18;
	vm1 =	vlt.f32 v24, v26;
	v23 =	vsel vm0, v23, v25  }
0x75: {  	v25 =	vsel vm3, v28, v27;
	v17 =	vsel vm0, s15, v17;
	vm2 =	vlt.f32 v21, v13  }
0x76: {  	vm0 =	veq.f32 v10, v9;
	v24 =	vsel vm1, v24, v26;
	vm5 =	vlt.f32 v6, v23  }
0x77: {  	v26 =	vsel vm8, s18, v15;
	v15 =	vld [tilespmem:s14+$0x60];
	vm6 =	vlt.f32 v7, v24;
	v6 =	vsel vm5, v6, v23  }
0x78: {  	v23 =	vld [tilespmem:s14+$0x70];
	v7 =	vsel vm6, v7, v24;
	v24 =	vshll.u32 v14, $0x7;
	v14 =	vor.u32 $0x10, v0  }
0x79: {  	vm4 =	vlt.f32 v8, v25;
	v16 =	vsel vm1, s15, v16;
	v24 =	vor.u32 v14, v24  }
0x7a: {  	v13 =	vsel vm2, v21, v13;
	v17 =	vsel vm5, s16, v17;
	vm5 =	vlt.s32 v24, v12  }
0x7b: {  	v8 =	vsel vm4, v8, v25;
	vm0 =	vmand vm0, vm5;
	vm5 =	vlt.f32 v10, v9  }
0x7c: {  	v17 =	vshll.u32 v17, $0x7;
	vm1 =	vlt.f32 v15, v20;
	vm5 =	vmor vm5, vm0  }
0x7d: {  	vm0 =	vlt.f32 v23, v22;
	v20 =	vsel vm1, v15, v20;
	v15 =	vor.u32 $0x20, v0  }
0x7e: {  	v9 =	vsel vm5, v10, v9;
	v10 =	vsel vm5, v24, v12;
	v17 =	vor.u32 v15, v17  }
0x7f: {  	v12 =	vsel vm6, s16, v16;
	vm5 =	veq.f32 v6, v9;
	vm6 =	vlt.s32 v17, v10  }
0x80: {  	v16 =	vld [tilespmem:s14+$0x160];
	v21 =	vsel vm0, v23, v22;
	vm5 =	vmand vm5, vm6;
	vm6 =	vlt.f32 v6, v9  }
0x81: {  	v22 =	vld [tilespmem:s14+$0x170];
	v23 =	vshll.u32 v12, $0x7;
	v12 =	vor.u32 $0x30, v0;
	vm5 =	vmor vm6, vm5  }
0x82: {  	vm6 =	vlt.f32 v5, v13;
	v6 =	vsel vm5, v6, v9;
	v9 =	vsel vm5, v17, v10  }
0x83: {  	v10 =	vor.u32 v12, v23;
	v17 =	vsel vm3, s15, v26;
	v5 =	vsel vm6, v5, v13  }
0x84: {  	v13 =	vor.u32 $0x40, v0;
	vm3 =	veq.f32 v7, v6;
	vm5 =	vlt.s32 v10, v9  }
0x85: {  	v17 =	vsel vm4, s16, v17;
	vm3 =	vmand vm3, vm5;
	vm5 =	vlt.f32 v7, v6  }
0x86: {  	vm4 =	vlt.f32 v16, v20;
	vm5 =	vmor vm5, vm3;
	vm3 =	vlt.f32 v22, v21  }
0x87: {  	v16 =	vsel vm4, v16, v20;
	v17 =	vshll.u32 v17, $0x7;
	v20 =	vsel vm3, v22, v21  }
0x88: {  	v6 =	vsel vm5, v7, v6;
	v7 =	vsel vm5, v10, v9;
	v10 =	vor.u32 v13, v17  }
0x89: {  	v9 =	vsel vm2, s15, v11;
	vm2 =	veq.f32 v8, v6;
	vm5 =	vlt.s32 v10, v7  }
0x8a: {  	v9 =	vsel vm6, s16, v9;
	vm6 =	vlt.f32 v8, v6;
	vm2 =	vmand vm2, vm5  }
0x8b: {  	v11 =	vshll.u32 v9, $0x7;
	v9 =	vor.u32 $0x50, v0;
	vm2 =	vmor vm6, vm2  }
0x8c: {  	v6 =	vsel vm2, v8, v6;
	v7 =	vsel vm2, v10, v7;
	v8 =	vor.u32 v9, v11  }
0x8d: {  	v10 =	vsel vm1, s15, v19;
	vm1 =	veq.f32 v5, v6;
	vm2 =	vlt.s32 v8, v7  }
0x8e: {  	v10 =	vsel vm4, s16, v10;
	vm4 =	vlt.f32 v5, v6;
	vm1 =	vmand vm1, vm2  }
0x8f: {  	v11 =	vshll.u32 v10, $0x7;
	v10 =	vor.u32 $0x60, v0;
	vm1 =	vmor vm4, vm1  }
0x90: {  	v5 =	vsel vm1, v5, v6;
	v6 =	vsel vm1, v8, v7;
	v7 =	vor.u32 v10, v11  }
0x91: {  	v8 =	vsel vm0, s15, v18;
	vm0 =	veq.f32 v16, v5;
	vm1 =	vlt.s32 v7, v6  }
0x92: {  	v8 =	vsel vm3, s16, v8;
	vm2 =	vlt.f32 v16, v5;
	vm0 =	vmand vm0, vm1  }
0x93: {  	v11 =	vor.u32 $0x70, v0;
	v8 =	vshll.u32 v8, $0x7;
	vm0 =	vmor vm2, vm0  }
0x94: {  	v5 =	vsel vm0, v16, v5;
	v6 =	vsel vm0, v7, v6;
	v7 =	vor.u32 v11, v8  }
0x95: {  	vm0 =	veq.f32 v20, v5;
	vm1 =	vlt.s32 v7, v6  }
0x96: {  	vm2 =	vlt.f32 v20, v5;
	vm0 =	vmand vm0, vm1  }
0x97: {  	vm0 =	vmor vm2, vm0  }
0x98: {  	v5 =	vsel vm0, v20, v5  }
0x99: {  	v6 =	vsel vm0, v7, v6;
	[tilespmem:$0x10080] =	vst v5  }
0x9a: {  	[tilespmem:$0x10100] =	vst v6  }
0x9b: {  	v7 =	vld.idx.msk [tilespmem:v1+s8+$0x0], $0xffff  }
0x9c: {  	v8 =	vld.idx.msk [tilespmem:v1+s9+$0x0], $0xffff;
	_ =	sdelay $0x4  }
0x9d: {  	vm0 =	veq.f32 v7, v5;
	vm1 =	vlt.s32 v8, v6  }
0x9e: {  	vm2 =	vlt.f32 v7, v5;
	vm0 =	vmand vm0, vm1  }
0x9f: {  	vm0 =	vmor vm2, vm0  }
0xa0: {  	v5 =	vsel vm0, v7, v5  }
0xa1: {  	v6 =	vsel vm0, v8, v6;
	[tilespmem:$0x10080] =	vst v5  }
0xa2: {  	[tilespmem:$0x10100] =	vst v6  }
0xa3: {  	v7 =	vld.idx.msk [tilespmem:v2+s8+$0x0], $0xffff  }
0xa4: {  	v8 =	vld.idx.msk [tilespmem:v2+s9+$0x0], $0xffff;
	_ =	sdelay $0x4  }
0xa5: {  	vm0 =	veq.f32 v7, v5;
	vm1 =	vlt.s32 v8, v6  }
0xa6: {  	vm2 =	vlt.f32 v7, v5;
	vm0 =	vmand vm0, vm1  }
0xa7: {  	vm0 =	vmor vm2, vm0  }
0xa8: {  	v5 =	vsel vm0, v7, v5  }
0xa9: {  	v7 =	vsel vm0, v8, v6;
	[tilespmem:$0x10080] =	vst v5  }
0xaa: {  	[tilespmem:$0x10100] =	vst v7  }
0xab: {  	v6 =	vld.idx.msk [tilespmem:v3+s8+$0x0], $0xffff  }
0xac: {  	v8 =	vld.idx.msk [tilespmem:v3+s9+$0x0], $0xffff;
	_ =	sdelay $0x4  }
0xad: {  	vm0 =	veq.f32 v6, v5;
	vm1 =	vlt.s32 v8, v7  }
0xae: {  	vm2 =	vlt.f32 v6, v5;
	vm0 =	vmand vm0, vm1  }
0xaf: {  	vm0 =	vmor vm2, vm0  }
0xb0: {  	v6 =	vsel vm0, v6, v5  }
0xb1: {  	v5 =	vsel vm0, v8, v7;
	[tilespmem:$0x10080] =	vst v6  }
0xb2: {  	[tilespmem:$0x10100] =	vst v5  }
0xb3: {  	v8 =	vld.idx.msk [tilespmem:v4+s8+$0x0], $0xffff  }
0xb4: {  	v7 =	vld.idx.msk [tilespmem:v4+s9+$0x0], $0xffff;
	_ =	swait.ge [sflag:s10], $0x8000  }
0xb5: {  	[sflag:s10] =	ssyncset.done $0x0  }
0xb6: {  	s14 =	simm.s32 $0x280;
	[sflag:s10] =	ssyncadd.s32 $0xFFFF8000  }
0xb7: {  	v21 =	vld [tilespmem:s14+$0x100]  }
0xb8: {  	v22 =	vld [tilespmem:s14+$0x110]  }
0xb9: {  	v19 =	vld [tilespmem:s14+$0x120]  }
0xba: {  	v18 =	vld [tilespmem:s14+$0x130]  }
0xbb: {  	v17 =	vld [tilespmem:s14+$0x140]  }
0xbc: {  	v24 =	vld [tilespmem:s14+$0xFFFFFE00]  }
0xbd: {  	v25 =	vld [tilespmem:s14+$0xFFFFFE10]  }
0xbe: {  	v61 =	vld [tilespmem:s14+$0xFFFFFE20]  }
0xbf: {  	v36 =	vld [tilespmem:s14+$0xFFFFFE30]  }
0xc0: {  	v26 =	vld [tilespmem:s14+$0xFFFFFF00]  }
0xc1: {  	v27 =	vld [tilespmem:s14+$0xFFFFFF10]  }
0xc2: {  	v32 =	vimm.f32 $+Inf;
	v23 =	vimm.f32 $+Inf;
	v28 =	vld [tilespmem:s14+$0x0]  }
0xc3: {  	v33 =	vimm.f32 $+Inf;
	v20 =	vimm.s32 $0x0;
	v29 =	vld [tilespmem:s14+$0x10];
	vm0 =	vlt.f32 v24, v23  }
0xc4: {  	s17 =	simm.s32 $0x0;
	v16 =	vld [tilespmem:s14+$0x150];
	vm1 =	vlt.f32 v25, v23;
	vm7 =	vlt.f32 v61, v23;
	vm8 =	vlt.f32 v36, v23  }
0xc5: {  	v30 =	vld [tilespmem:s14+$0xFFFFFF20];
	v24 =	vsel vm0, v24, v23;
	v25 =	vsel vm1, v25, v23;
	v31 =	vsel vm1, s17, v20  }
0xc6: {  	s18 =	simm.s32 $0x1;
	v63 =	vld [tilespmem:s14+$0xFFFFFF30];
	v62 =	vsel vm0, s17, v20;
	vm1 =	vlt.f32 v26, v24;
	vm0 =	vlt.f32 v27, v25  }
0xc7: {  	v42 =	vld [tilespmem:s14+$0xFFFFFF40];
	v24 =	vsel vm1, v26, v24;
	v25 =	vsel vm0, v27, v25;
	v27 =	vsel vm0, s18, v31  }
0xc8: {  	s15 =	simm.s32 $0x2;
	v26 =	vld [tilespmem:s14+$0xFFFFFE40];
	v31 =	vsel vm1, s18, v62;
	vm0 =	vlt.f32 v28, v24;
	vm1 =	vlt.f32 v29, v25  }
0xc9: {  	v34 =	vld [tilespmem:s14+$0x20];
	v28 =	vsel vm0, v28, v24;
	v25 =	vsel vm1, v29, v25;
	v27 =	vsel vm1, s15, v27  }
0xca: {  	v35 =	vld [tilespmem:s14+$0x30];
	v24 =	vsel vm0, s15, v31;
	vm2 =	vlt.f32 v21, v28;
	vm0 =	vlt.f32 v22, v25  }
0xcb: {  	s16 =	simm.s32 $0x3;
	v39 =	vld [tilespmem:s14+$0x40];
	v29 =	vimm.s32 $0x0;
	v21 =	vsel vm2, v21, v28;
	v22 =	vsel vm0, v22, v25  }
0xcc: {  	v40 =	vld [tilespmem:s14+$0xFFFFFF50];
	v25 =	vsel vm0, s16, v27;
	v27 =	vsel vm7, v61, v23;
	v28 =	vsel vm8, v36, v23  }
0xcd: {  	v41 =	vld [tilespmem:s14+$0xFFFFFE50];
	vm3 =	vlt.f32 v26, v23;
	vm5 =	vlt.f32 v30, v27;
	vm6 =	vlt.f32 v63, v28  }
0xce: {  	v43 =	vld [tilespmem:s14+$0xFFFFFE70];
	v26 =	vsel vm3, v26, v23;
	v37 =	vsel vm5, v30, v27;
	v38 =	vsel vm6, v63, v28  }
0xcf: {  	v31 =	vld [tilespmem:s14+$0x50];
	v30 =	vimm.s32 $0x0;
	v27 =	vimm.s32 $0x0;
	vm4 =	vlt.f32 v42, v26  }
0xd0: {  	s19 =	simm.s32 $0x4;
	v28 =	vimm.s32 $0x0;
	v36 =	vsel vm4, v42, v26;
	v42 =	vld [tilespmem:s14+$0xFFFFFE60];
	v26 =	vimm.s32 $0x0  }
.LBB2_8:
0xd1: {  	v44 =	vimm.s32 $0x0;
	v60 =	vimm.s32 $0x0  }
0xd2: {  	v61 =	vimm.s32 $0x0;
	v62 =	vld [tilespmem:s14+$0xFFFFFF60];
	v45 =	vimm.s32 $0x0;
	v63 =	vimm.s32 $0x0  }
0xd3: {  	v48 =	vimm.s32 $0x0;
	v49 =	vld [tilespmem:s14+$0xFFFFFF70];
	v52 =	vimm.s32 $0x0;
	v53 =	vimm.s32 $0x0  }
0xd4: {  	v51 =	vld [tilespmem:s14+$0x60];
	v44 =	vsel vm4, $0xFFFFFFFF, v44;
	vm4 =	vmmov vm3;
	vm3 =	vmmov vm8  }
0xd5: {  	v54 =	vimm.s32 $0x0;
	v46 =	vld [tilespmem:s14+$0x70];
	[tilespmem:$0x1FEF0] =	vst v44;
	v44 =	vsel vm7, $0xFFFFFFFF, v60;
	v27 =	vsel vm3, s17, v27  }
0xd6: {  	v55 =	vld [tilespmem:s14+$0x160];
	v28 =	vsel vm4, s17, v28;
	[tilespmem:$0x1FEE0] =	vst v44;
	v44 =	vsel vm2, $0xFFFFFFFF, v61;
	v27 =	vsel vm6, s18, v27  }
0xd7: {  	v56 =	vld [tilespmem:s14+$0x170];
	s14 =	sadd.s32 $0x400, s14;
	vm0 =	vlt.f32 v34, v37;
	vm1 =	vlt.f32 v35, v38;
	vm9 =	vlt.f32 v39, v36  }
0xd8: {  	v60 =	vld [tilespmem:s14+$0xFFFFFE00];
	vm13 =	vlt.f32 v41, v23;
	vm14 =	vlt.f32 v42, v32;
	vm15 =	vlt.f32 v43, v33  }
0xd9: {  	v61 =	vld [tilespmem:s14+$0xFFFFFE10];
	v45 =	vsel vm0, $0xFFFFFFFF, v45;
	v34 =	vsel vm0, v34, v37;
	v35 =	vsel vm1, v35, v38  }
0xda: {  	[tilespmem:$0x1FF60] =	vst v44;
	v44 =	vld [tilespmem:s14+$0xFFFFFF00];
	v50 =	vsel vm9, v39, v36;
	v20 =	vsel vm13, s17, v20;
	v30 =	vsel vm14, s17, v30  }
0xdb: {  	v29 =	vsel vm15, s17, v29;
	v39 =	vld [tilespmem:s14+$0x10];
	[tilespmem:$0x1FF00] =	vst v45;
	v45 =	vsel vm1, $0xFFFFFFFF, v63;
	vm0 =	vlt.f32 v19, v34  }
0xdc: {  	v47 =	vld [tilespmem:$0x1FF60];
	vm1 =	vlt.f32 v18, v35;
	[tilespmem:$0x1FF10] =	vst v45;
	v45 =	vsel vm9, $0xFFFFFFFF, v48;
	v36 =	vsel vm0, $0xFFFFFFFF, v52  }
0xdd: {  	v63 =	vld [tilespmem:s14+$0xFFFFFF10];
	vm9 =	vlt.f32 v17, v50;
	v37 =	vsel vm1, v18, v35;
	v18 =	vsel vm14, v42, v32  }
0xde: {  	v42 =	vld [tilespmem:s14+$0x110];
	[tilespmem:$0x1FF30] =	vst v36;
	v36 =	vsel vm1, $0xFFFFFFFF, v53;
	v38 =	vsel vm9, v17, v50;
	vm1 =	vlt.f32 v62, v18  }
0xdf: {  	v52 =	vld [tilespmem:$0x1FEF0];
	v17 =	vsel vm13, v41, v23;
	[tilespmem:$0x1FF40] =	vst v36;
	v36 =	vsel vm9, $0xFFFFFFFF, v54;
	v23 =	vsel vm1, v62, v18  }
0xe0: {  	v35 =	vld [tilespmem:s14+$0x30];
	v30 =	vsel vm1, s18, v30;
	vm1 =	vlt.f32 v61, v22;
	[tilespmem:$0x1FF50] =	vst v36;
	v36 =	vsel vm0, v19, v34  }
0xe1: {  	v48 =	vld [tilespmem:s14+$0xFFFFFE40];
	v19 =	vsel vm15, v43, v33;
	vm0 =	vlt.f32 v40, v17;
	vm9 =	vlt.f32 v51, v23  }
0xe2: {  	v41 =	vld [tilespmem:s14+$0x100];
	v22 =	vsel vm1, v61, v22;
	v25 =	vsel vm1, s19, v25;
	vm7 =	vlt.f32 v49, v19  }
0xe3: {  	v53 =	vld [tilespmem:$0x1FF00];
	v17 =	vsel vm0, v40, v17;
	v58 =	vsel vm9, v51, v23;
	v20 =	vsel vm0, s18, v20  }
0xe4: {  	v62 =	vld [tilespmem:$0x1FEE0];
	v30 =	vsel vm9, s15, v30;
	vm1 =	vlt.f32 v63, v22;
	v57 =	vsel vm7, v49, v19  }
0xe5: {  	v18 =	vld [tilespmem:s14+$0x130];
	vm8 =	vlt.f32 v31, v17;
	vm12 =	vlt.f32 v55, v58;
	v29 =	vsel vm7, s18, v29  }
0xe6: {  	v54 =	vld [tilespmem:$0x1FF10];
	v22 =	vsel vm1, v63, v22;
	vm3 =	vlt.f32 v48, v38;
	vm10 =	vlt.f32 v46, v57  }
0xe7: {  	[tilespmem:$0x1FF20] =	vst v45;
	v61 =	vld [tilespmem:s14+$0xFFFFFE30];
	v31 =	vsel vm8, v31, v17;
	v32 =	vsel vm12, v55, v58;
	v59 =	vsel vm10, v46, v57  }
0xe8: {  	v20 =	vsel vm8, s15, v20;
	v30 =	vsel vm12, s16, v30;
	v55 =	vld [tilespmem:$0x1FF20];
	vm2 =	vlt.f32 v56, v59  }
0xe9: {  	v48 =	vsel vm3, v48, v38;
	vm0 =	vnez.u8 v62;
	v33 =	vsel vm2, v56, v59;
	v56 =	vld [tilespmem:$0x1FF30]  }
0xea: {  	vm11 =	vlt.f32 v16, v31;
	v57 =	vld [tilespmem:$0x1FF40];
	v26 =	vsel vm0, s17, v26;
	vm0 =	vnez.u8 v52  }
0xeb: {  	v58 =	vld [tilespmem:$0x1FF50];
	v26 =	vsel vm5, s18, v26;
	v28 =	vsel vm0, s18, v28;
	vm0 =	vnez.u8 v53  }
0xec: {  	v34 =	vld [tilespmem:s14+$0x20];
	v29 =	vsel vm10, s15, v29;
	v26 =	vsel vm0, s15, v26;
	vm0 =	vnez.u8 v54  }
0xed: {  	v43 =	vld [tilespmem:s14+$0xFFFFFE70];
	v23 =	vsel vm11, v16, v31;
	v27 =	vsel vm0, s15, v27;
	vm0 =	vnez.u8 v55  }
0xee: {  	v63 =	vld [tilespmem:s14+$0xFFFFFF40];
	v20 =	vsel vm11, s16, v20;
	v28 =	vsel vm0, s15, v28;
	vm0 =	vnez.u8 v56  }
0xef: {  	v40 =	vld [tilespmem:s14+$0xFFFFFF50];
	vm8 =	vlt.f32 v61, v37;
	v26 =	vsel vm0, s16, v26;
	vm0 =	vnez.u8 v57  }
0xf0: {  	v62 =	vld [tilespmem:s14+$0xFFFFFF30];
	v29 =	vsel vm2, s16, v29;
	v27 =	vsel vm0, s16, v27;
	vm0 =	vnez.u8 v58  }
0xf1: {  	v31 =	vld [tilespmem:s14+$0x0];
	vm2 =	vnez.u8 v47;
	v28 =	vsel vm0, s16, v28;
	vm0 =	vlt.f32 v60, v21  }
0xf2: {  	s18 =	sadd.s32 $0x1, s19;
	v47 =	vsel vm8, v61, v37;
	v24 =	vsel vm2, s16, v24;
	v21 =	vsel vm0, v60, v21;
	v60 =	vld [tilespmem:s14+$0xFFFFFE20]  }
0xf3: {  	v19 =	vld [tilespmem:s14+$0x120];
	v25 =	vsel vm1, s18, v25;
	vm1 =	vlt.f32 v39, v22;
	vm4 =	vlt.f32 v63, v48  }
0xf4: {  	v59 =	vld [tilespmem:s14+$0xFFFFFF20];
	v22 =	vsel vm1, v39, v22;
	s15 =	sadd.s32 $0x2, s19;
	v24 =	vsel vm0, s19, v24;
	vm0 =	vlt.f32 v44, v21  }
0xf5: {  	p0 =	slt.u32 s19, $0xFC;
	v17 =	vld [tilespmem:s14+$0x140];
	vm6 =	vlt.f32 v62, v47;
	v25 =	vsel vm1, s15, v25;
	v21 =	vsel vm0, v44, v21  }
.Ltmp3:
0xf6: {  	v16 =	vld [tilespmem:s14+$0x150];
	v38 =	vsel vm6, v62, v47;
	v24 =	vsel vm0, s18, v24;
	vm0 =	vlt.f32 v31, v21;
	(pc) =	sbr.rel @p0 .LBB2_8-.Ltmp3, $4  }
0xf7: {  	v39 =	vld [tilespmem:s14+$0x40];
	v21 =	vsel vm0, v31, v21;
	v24 =	vsel vm0, s15, v24;
	vm7 =	vlt.f32 v60, v36  }
0xf8: {  	s16 =	sadd.s32 $0x3, s19;
	vm0 =	vlt.f32 v42, v22;
	v31 =	vld [tilespmem:s14+$0x50];
	vm2 =	vlt.f32 v41, v21;
	v36 =	vsel vm7, v60, v36  }
0xf9: {  	v22 =	vsel vm0, v42, v22;
	v25 =	vsel vm0, s16, v25;
	v42 =	vld [tilespmem:s14+$0xFFFFFE60];
	vm5 =	vlt.f32 v59, v36  }
0xfa: {  	s17 =	smov.u32 s19;
	s19 =	sadd.s32 $0x4, s19;
	v21 =	vsel vm2, v41, v21;
	v41 =	vld [tilespmem:s14+$0xFFFFFE50];
	v37 =	vsel vm5, v59, v36;
	v36 =	vsel vm4, v63, v48  }
0xfb: {  	vm12 =	vlt.f32 v43, v33;
	v26 =	vsel vm7, s17, v26  }
0xfc: {  	v27 =	vsel vm8, s17, v27;
	v28 =	vsel vm3, s17, v28;
	vm9 =	vlt.f32 v34, v37  }
0xfd: {  	vm10 =	vlt.f32 v35, v38;
	v24 =	vsel vm2, s16, v24;
	v25 =	vshll.u32 v25, $0x7  }
0xfe: {  	v33 =	vsel vm12, v43, v33;
	v29 =	vsel vm12, s17, v29;
	v26 =	vsel vm5, s18, v26  }
0xff: {  	v27 =	vsel vm6, s18, v27;
	v34 =	vsel vm9, v34, v37;
	v35 =	vsel vm10, v35, v38  }
0x100: {  	v44 =	vld [tilespmem:s14+$0xFFFFFF60];
	v24 =	vshll.u32 v24, $0x7;
	v28 =	vsel vm4, s18, v28;
	v14 =	vor.u32 v14, v25  }
0x101: {  	v45 =	vld [tilespmem:s14+$0xFFFFFF70];
	vm12 =	veq.f32 v22, v21;
	vm11 =	vlt.f32 v19, v34;
	v24 =	vor.u32 v0, v24  }
0x102: {  	v38 =	vsel vm9, s15, v26;
	vm6 =	vlt.f32 v18, v35;
	vm1 =	vlt.f32 v42, v32  }
0x103: {  	v19 =	vsel vm11, v19, v34;
	v25 =	vsel vm11, s16, v38;
	v18 =	vsel vm6, v18, v35  }
0x104: {  	vm0 =	vlt.f32 v41, v23;
	v32 =	vsel vm1, v42, v32;
	v30 =	vsel vm1, s17, v30  }
0x105: {  	v25 =	vshll.u32 v25, $0x7;
	v23 =	vsel vm0, v41, v23;
	v20 =	vsel vm0, s17, v20  }
0x106: {  	vm14 =	vlt.f32 v44, v32;
	vm15 =	vlt.f32 v45, v33;
	v15 =	vor.u32 v15, v25  }
0x107: {  	v41 =	vsel vm10, s15, v27;
	vm13 =	vlt.f32 v40, v23;
	v32 =	vsel vm14, v44, v32  }
0x108: {  	v42 =	vld [tilespmem:s14+$0x60];
	v30 =	vsel vm14, s18, v30;
	v33 =	vsel vm15, v45, v33;
	v29 =	vsel vm15, s18, v29  }
0x109: {  	vm14 =	vlt.f32 v22, v21;
	vm15 =	vlt.f32 v39, v36;
	v23 =	vsel vm13, v40, v23  }
0x10a: {  	v20 =	vsel vm13, s18, v20;
	vm13 =	vlt.s32 v14, v24;
	v39 =	vsel vm15, v39, v36  }
0x10b: {  	v43 =	vsel vm15, s15, v28;
	vm0 =	vmand vm12, vm13;
	vm10 =	vlt.f32 v17, v39  }
0x10c: {  	vm11 =	vlt.f32 v31, v23;
	vm0 =	vmor vm14, vm0;
	v17 =	vsel vm10, v17, v39  }
0x10d: {  	v23 =	vsel vm11, v31, v23;
	vm15 =	vlt.f32 v42, v32;
	v46 =	vsel vm11, s15, v20  }
0x10e: {  	v40 =	vsel vm0, v22, v21;
	v14 =	vsel vm0, v14, v24;
	v22 =	vsel vm6, s16, v41  }
0x10f: {  	vm6 =	vlt.f32 v16, v23;
	vm7 =	veq.f32 v19, v40;
	vm8 =	vlt.s32 v15, v14  }
0x110: {  	v45 =	vld [tilespmem:s14+$0x160];
	v24 =	vsel vm15, v42, v32;
	vm9 =	vlt.f32 v19, v40;
	vm0 =	vmand vm7, vm8  }
0x111: {  	v50 =	vsel vm15, s15, v30;
	v22 =	vshll.u32 v22, $0x7;
	vm0 =	vmor vm9, vm0  }
0x112: {  	v12 =	vor.u32 v12, v22;
	v19 =	vsel vm0, v19, v40;
	v14 =	vsel vm0, v15, v14  }
0x113: {  	v16 =	vsel vm6, v16, v23;
	vm12 =	veq.f32 v18, v19;
	vm13 =	vlt.s32 v12, v14  }
0x114: {  	v44 =	vld [tilespmem:s14+$0x70];
	v15 =	vsel vm10, s16, v43;
	vm14 =	vlt.f32 v18, v19;
	vm0 =	vmand vm12, vm13  }
0x115: {  	vm11 =	vlt.f32 v45, v24;
	v15 =	vshll.u32 v15, $0x7;
	vm0 =	vmor vm14, vm0  }
0x116: {  	v13 =	vor.u32 v13, v15;
	v18 =	vsel vm0, v18, v19;
	v12 =	vsel vm0, v12, v14  }
0x117: {  	v49 =	vsel vm11, v45, v24;
	vm7 =	veq.f32 v17, v18;
	vm8 =	vlt.s32 v13, v12  }
0x118: {  	v14 =	vsel vm6, s16, v46;
	vm9 =	vlt.f32 v17, v18;
	vm0 =	vmand vm7, vm8  }
0x119: {  	vm10 =	vlt.f32 v44, v33;
	v14 =	vshll.u32 v14, $0x7;
	vm0 =	vmor vm9, vm0  }
0x11a: {  	v47 =	vld [tilespmem:s14+$0x170];
	v9 =	vor.u32 v9, v14;
	v17 =	vsel vm0, v17, v18;
	v12 =	vsel vm0, v13, v12  }
0x11b: {  	v48 =	vsel vm10, v44, v33;
	vm12 =	veq.f32 v16, v17;
	vm13 =	vlt.s32 v9, v12  }
0x11c: {  	v13 =	vsel vm11, s16, v50;
	vm14 =	vlt.f32 v16, v17;
	vm0 =	vmand vm12, vm13  }
0x11d: {  	v52 =	vsel vm10, s15, v29;
	v13 =	vshll.u32 v13, $0x7;
	vm0 =	vmor vm14, vm0  }
0x11e: {  	v10 =	vor.u32 v10, v13;
	v51 =	vsel vm0, v16, v17;
	v9 =	vsel vm0, v9, v12  }
0x11f: {  	vm15 =	vlt.f32 v47, v48;
	vm6 =	veq.f32 v49, v51;
	vm7 =	vlt.s32 v10, v9  }
0x120: {  	v12 =	vsel vm15, s16, v52;
	vm8 =	vlt.f32 v49, v51;
	vm0 =	vmand vm6, vm7  }
0x121: {  	v53 =	vsel vm15, v47, v48;
	v12 =	vshll.u32 v12, $0x7;
	vm0 =	vmor vm8, vm0  }
0x122: {  	v54 =	vor.u32 v11, v12;
	v14 =	vsel vm0, v49, v51;
	v9 =	vsel vm0, v10, v9  }
0x123: {  	vm9 =	veq.f32 v53, v14;
	vm10 =	vlt.s32 v54, v9  }
0x124: {  	vm11 =	vlt.f32 v53, v14;
	vm0 =	vmand vm9, vm10  }
0x125: {  	vm0 =	vmor vm11, vm0  }
0x126: {  	v55 =	vsel vm0, v53, v14  }
0x127: {  	v9 =	vsel vm0, v54, v9;
	[tilespmem:$0x10080] =	vst v55  }
0x128: {  	[tilespmem:$0x10100] =	vst v9  }
0x129: {  	v56 =	vld.idx.msk [tilespmem:v1+s8+$0x0], $0xffff  }
0x12a: {  	v57 =	vld.idx.msk [tilespmem:v1+s9+$0x0], $0xffff;
	_ =	sdelay $0x4  }
0x12b: {  	vm12 =	veq.f32 v56, v55;
	vm13 =	vlt.s32 v57, v9  }
0x12c: {  	vm14 =	vlt.f32 v56, v55;
	vm0 =	vmand vm12, vm13  }
0x12d: {  	vm0 =	vmor vm14, vm0  }
0x12e: {  	v10 =	vsel vm0, v56, v55  }
0x12f: {  	v9 =	vsel vm0, v57, v9;
	[tilespmem:$0x10080] =	vst v10  }
0x130: {  	[tilespmem:$0x10100] =	vst v9  }
0x131: {  	v58 =	vld.idx.msk [tilespmem:v2+s8+$0x0], $0xffff  }
0x132: {  	v59 =	vld.idx.msk [tilespmem:v2+s9+$0x0], $0xffff;
	_ =	sdelay $0x4  }
0x133: {  	vm15 =	veq.f32 v58, v10;
	vm4 =	vlt.s32 v59, v9  }
0x134: {  	vm5 =	vlt.f32 v58, v10;
	vm0 =	vmand vm15, vm4  }
0x135: {  	vm0 =	vmor vm5, vm0  }
0x136: {  	v10 =	vsel vm0, v58, v10  }
0x137: {  	v9 =	vsel vm0, v59, v9;
	[tilespmem:$0x10080] =	vst v10  }
0x138: {  	[tilespmem:$0x10100] =	vst v9  }
0x139: {  	v60 =	vld.idx.msk [tilespmem:v3+s8+$0x0], $0xffff  }
0x13a: {  	v61 =	vld.idx.msk [tilespmem:v3+s9+$0x0], $0xffff;
	_ =	sdelay $0x4  }
0x13b: {  	vm6 =	veq.f32 v60, v10;
	vm7 =	vlt.s32 v61, v9  }
0x13c: {  	vm8 =	vlt.f32 v60, v10;
	vm0 =	vmand vm6, vm7  }
0x13d: {  	vm0 =	vmor vm8, vm0  }
0x13e: {  	v10 =	vsel vm0, v60, v10  }
0x13f: {  	v9 =	vsel vm0, v61, v9;
	[tilespmem:$0x10080] =	vst v10  }
0x140: {  	[tilespmem:$0x10100] =	vst v9  }
0x141: {  	v62 =	vld.idx.msk [tilespmem:v4+s8+$0x0], $0xffff  }
0x142: {  	v63 =	vld.idx.msk [tilespmem:v4+s9+$0x0], $0xffff;
	_ =	sdelay $0x3  }
0x143: {  	vm9 =	veq.f32 v8, v6;
	vm10 =	vlt.s32 v7, v5  }
0x144: {  	vm13 =	vlt.f32 v8, v6;
	vm11 =	veq.f32 v62, v10;
	vm12 =	vlt.s32 v63, v9  }
0x145: {  	vm0 =	vmand vm9, vm10;
	vm14 =	vlt.f32 v62, v10;
	vm1 =	vmand vm11, vm12  }
0x146: {  	vm0 =	vmor vm13, vm0;
	vm1 =	vmor vm14, vm1  }
0x147: {  	s13 =	sadd.s32 $0x1, s13;
	vm15 =	vmmov $0x1;
	v5 =	vsel vm0, v7, v5;
	v6 =	vsel vm1, v63, v9  }
0x148: {  	p0 =	sne.s32 s13, s6;
	v5 =	vsel vm15, v5, v6  }
.Ltmp4:
0x149: {  	[tilespmem:$0x10000] =	vst v5;
	(pc) =	sbr.rel @p0 .LBB2_1-.Ltmp4, $4  }
0x14a: {  	[hbm4b:s5+s1] =	stream.linear.scatter [tilespmem:s11], [sflag:$0x3], $0x80, $0x38;
	[tilespmem:$0x10180] =	vst v63  }
0x14b: {  	_ =	swait.ge [sflag:s12], $0x80  }
0x14c: {  	[sflag:s12] =	ssyncset.done $0x0  }
0x14d: {  	[sflag:s12] =	ssyncadd.s32 $0xFFFFFF80  }
0x14e: {  	_ =	sfence.sel $0x180000  }
0x14f: {  	[bflag:$0x0] =	sbarrier.arrive $0xFFFF  }
0x150: {  	p0 =	sne.s32 s0, $0x0;
	_ =	strace $0x90000047  }
0x151: {  	s0 =	sadd.s32 @!p0 $0x100000, s2;
	[bflag:$0x2] =	sbarrier.arrive $0xFFFF  }
0x152: {  	[sflag:s0] =	ssyncadd.tile.s32 @!p0 $0x1;
	_ =	shalt  }
.Lfunc_end2:
_tile_overlayer_lowered:
.L_overlay_start_2:
0x153: {  	(tag) =	ssettag $0x2  }
0x154: {  	s0 =	rddreg [dreg:$0x0];
	s2 =	stileid.u32  }
0x155: {  	s1 =	rddreg [dreg:$0x1];
	p0 =	sne.s32 s2, $0x0  }
0x156: {  	s3 =	rddreg [dreg:$0x2];
	[bflag:$0x3] =	sbarrier.arrive $0xFFFF;
	s2 =	simm.s32 @!p0 $0x1C03  }
0x157: {  	[timem:s3], [sflag:s2] =	dma.local @!p0 [hbm:s0], s1  }
0x158: {  	s0 =	simm.s32 @!p0 $0x3  }
0x159: {  	_ =	swait.ge @!p0 [sflag:s0], s1  }
0x15a: {  	s1 =	ssub.s32 @!p0 $0x0, s1;
	[sflag:s0] =	ssyncset.done @!p0 $0x0  }
0x15b: {  	[sflag:s0] =	ssyncadd.s32 @!p0 s1  }
0x15c: {  	[bflag:$0x3] =	sbarrier.arrive $0xFFFF  }
0x15d: {  	_ =	shalt  }

</sc_bundles>
